<compile_context>
chip_gen: v7x
topology: tpu7x:2x2x1
jax: 0.10.2.dev20260603
libtpu: 0.0.44.dev20260713+nightly
codegen_flags: <defaults>
</compile_context>

<pallas_src>
import functools

import jax
import jax.numpy as jnp
from jax import lax
from jax.experimental import pallas as pl
from jax.experimental.pallas import tpu as pltpu
from jax.experimental.pallas import tpu_sc as plsc

N = 10000
E = 320000
D = 128
H = 128

NC = 2
NS = 16
NW = NC * NS
B2 = 80
NCH = 128
EPT = NCH * B2
NP = 10240
RPS = NP // NS

_mesh = plsc.VectorSubcoreMesh(core_axis_name="c", subcore_axis_name="s")


@functools.partial(
    pl.kernel,
    mesh=_mesh,
    out_type=jax.ShapeDtypeStruct((NC, NP, 128), jnp.float32),
    scratch_types=[
        pltpu.VMEM((NCH, B2), jnp.int32),
        pltpu.VMEM((B2, 128), jnp.float32),
        pltpu.VMEM_SHARED((NP, 128), jnp.float32),
        pltpu.SemaphoreType.DMA,
    ],
)
def _deg_kernel(dst_hbm, zeros_hbm, out_hbm, dst_v, ones_v, acc, semS):
    c = lax.axis_index("c")
    s = lax.axis_index("s")
    w = c * NS + s

    one = jnp.ones((16,), jnp.float32)

    def fill_ones(i, carry):
        for j in range(8):
            ones_v[i, pl.ds(j * 16, 16)] = one
        return carry

    lax.fori_loop(0, B2, fill_ones, 0)
    pltpu.sync_copy(zeros_hbm.at[pl.ds(s * RPS, RPS)], acc.at[pl.ds(s * RPS, RPS)])
    pltpu.sync_copy(dst_hbm.at[w], dst_v)
    plsc.subcore_barrier()

    def chunk(j, carry):
        pltpu.async_copy(ones_v, acc.at[dst_v.at[j]], semS, add=True)
        return carry

    lax.fori_loop(0, NCH, chunk, 0)

    def drain(j, carry):
        pltpu.make_async_copy(ones_v, acc.at[pl.ds(0, B2)], semS).wait()
        return carry

    lax.fori_loop(0, NCH, drain, 0)
    plsc.subcore_barrier()
    pltpu.sync_copy(acc.at[pl.ds(s * RPS, RPS)], out_hbm.at[c, pl.ds(s * RPS, RPS)])


HCH = NCH // 2


@functools.partial(
    pl.kernel,
    mesh=_mesh,
    out_type=jax.ShapeDtypeStruct((NC, NP, D), jnp.float32),
    scratch_types=[
        pltpu.VMEM((HCH, B2), jnp.int32),
        pltpu.VMEM((HCH, B2), jnp.int32),
        pltpu.VMEM((3, B2, D), jnp.float32),
        pltpu.VMEM_SHARED((NP, D), jnp.float32),
        pltpu.SemaphoreType.DMA((3,)),
    ],
)
def _agg_kernel(y_hbm, src_hbm, dst_hbm, zeros_hbm, out_hbm,
                src_v, dst_v, rows_v, acc, semG):
    c = lax.axis_index("c")
    s = lax.axis_index("s")
    w = c * NS + s
    pltpu.sync_copy(zeros_hbm.at[pl.ds(s * RPS, RPS)], acc.at[pl.ds(s * RPS, RPS)])
    plsc.subcore_barrier()

    for h in range(2):
        pltpu.sync_copy(src_hbm.at[w, pl.ds(h * HCH, HCH)], src_v)
        pltpu.sync_copy(dst_hbm.at[w, pl.ds(h * HCH, HCH)], dst_v)
        pltpu.async_copy(y_hbm.at[src_v.at[0]], rows_v.at[0], semG.at[0])
        pltpu.async_copy(y_hbm.at[src_v.at[1]], rows_v.at[1], semG.at[1])

        def body(t, cr):
            p = t % 3
            t2 = t + 2
            p2 = t2 % 3

            @pl.when(t2 < HCH)
            def _():
                pltpu.async_copy(y_hbm.at[src_v.at[t2]], rows_v.at[p2],
                                 semG.at[p2])

            pltpu.make_async_copy(y_hbm.at[pl.ds(0, B2)], rows_v.at[p],
                                  semG.at[p]).wait()
            pltpu.sync_copy(rows_v.at[p], acc.at[dst_v.at[t]], add=True)
            return cr

        lax.fori_loop(0, HCH, body, 0)

    plsc.subcore_barrier()
    pltpu.sync_copy(acc.at[pl.ds(s * RPS, RPS)], out_hbm.at[c, pl.ds(s * RPS, RPS)])


RB = 1024
NBLK = NP // RB
RBO = 1000
NBLKO = N // RBO


def _dis_of(degp_ref):
    return lax.rsqrt(degp_ref[0] + degp_ref[1] + 1.0)


def _mms_body(degp_ref, x_ref, w_ref, y_ref):
    y_ref[...] = jnp.dot(x_ref[...], w_ref[...],
                         preferred_element_type=jnp.float32) * _dis_of(degp_ref)


def _matmul_scale(degp, x, w):
    return pl.pallas_call(
        _mms_body,
        grid=(NBLK,),
        in_specs=[
            pl.BlockSpec((NC, RB, 128), lambda i: (0, i, 0)),
            pl.BlockSpec((RB, D), lambda i: (i, 0)),
            pl.BlockSpec((D, H), lambda i: (0, 0)),
        ],
        out_specs=pl.BlockSpec((RB, H), lambda i: (i, 0)),
        out_shape=jax.ShapeDtypeStruct((NP, H), jnp.float32),
    )(degp, x, w)


def _mid_body(degp_ref, aggp_ref, y_ref, b_ref, w_ref, o_ref):
    dis = _dis_of(degp_ref)
    z = dis * (aggp_ref[0] + aggp_ref[1] + y_ref[...]) + b_ref[...]
    z = jnp.maximum(z, 0.0)
    o_ref[...] = jnp.dot(z, w_ref[...],
                         preferred_element_type=jnp.float32) * dis


def _mid(degp, aggp, y, b, w):
    return pl.pallas_call(
        _mid_body,
        grid=(NBLK,),
        in_specs=[
            pl.BlockSpec((NC, RB, 128), lambda i: (0, i, 0)),
            pl.BlockSpec((NC, RB, H), lambda i: (0, i, 0)),
            pl.BlockSpec((RB, H), lambda i: (i, 0)),
            pl.BlockSpec((1, H), lambda i: (0, 0)),
            pl.BlockSpec((H, H), lambda i: (0, 0)),
        ],
        out_specs=pl.BlockSpec((RB, H), lambda i: (i, 0)),
        out_shape=jax.ShapeDtypeStruct((NP, H), jnp.float32),
    )(degp, aggp, y, b, w)


def _fin_body(degp_ref, aggp_ref, y_ref, b_ref, o_ref):
    o = _dis_of(degp_ref) * (aggp_ref[0] + aggp_ref[1] + y_ref[...]) + b_ref[...]
    nrm = jnp.sqrt(jnp.sum(o * o, axis=1, keepdims=True))
    o_ref[...] = o / jnp.maximum(nrm, 1e-12)


def _fin(degp, aggp, y, b):
    return pl.pallas_call(
        _fin_body,
        grid=(NBLKO,),
        in_specs=[
            pl.BlockSpec((NC, RBO, 128), lambda i: (0, i, 0)),
            pl.BlockSpec((NC, RBO, H), lambda i: (0, i, 0)),
            pl.BlockSpec((RBO, H), lambda i: (i, 0)),
            pl.BlockSpec((1, H), lambda i: (0, 0)),
        ],
        out_specs=pl.BlockSpec((RBO, H), lambda i: (i, 0)),
        out_shape=jax.ShapeDtypeStruct((N, H), jnp.float32),
    )(degp, aggp, y, b)


def _pad_idx(a):
    a = a.reshape(NW, E // NW)
    npad = EPT - E // NW
    pad = N + (jnp.arange(npad, dtype=jnp.int32) % (NP - N))
    pad = jnp.broadcast_to(pad, (NW, npad))
    return jnp.concatenate([a, pad], axis=1).reshape(NW, NCH, B2)


def kernel(x, edge_index, W1, b1, W2, b2):
    ei = jnp.asarray(edge_index, jnp.int32)
    src = _pad_idx(ei[0])
    dst = _pad_idx(ei[1])
    xp = jnp.zeros((NP, D), jnp.float32).at[:N].set(x)
    zerosD = jnp.zeros((NP, D), jnp.float32)
    b1r = b1.reshape(1, H)
    b2r = b2.reshape(1, H)

    degp = _deg_kernel(dst, zerosD)
    y1 = _matmul_scale(degp, xp, W1)
    agg1 = _agg_kernel(y1, src, dst, zerosD)
    y2 = _mid(degp, agg1, y1, b1r, W2)
    agg2 = _agg_kernel(y2, src, dst, zerosD)
    return _fin(degp, agg2, y2, b2r)

# --- scband reference (transcript-rebuilt; emitter-appended) ---
"""Pipeline reference for scband-gconv-19911468384628 (READ-ONLY COPY).

The authoritative reference and input builder live on the scoring server;
editing this copy changes nothing except your own understanding.
"""

import jax, jax.numpy as jnp
import numpy as np

N = 10000
E = 320000
D = 128
H = 128


def setup_inputs(seed: int = 0) -> dict:
    key = jax.random.key(seed)
    k1, k2, k3, k4, k5, k6 = jax.random.split(key, 6)
    x = jax.random.normal(k1, (N, D), dtype=jnp.float32)
    edge_index = jax.random.randint(k2, (2, E), 0, N, dtype=jnp.int64)
    s1 = 1.0 / np.sqrt(D)
    s2 = 1.0 / np.sqrt(H)
    W1 = jax.random.uniform(k3, (D, H), dtype=jnp.float32, minval=-s1, maxval=s1)
    b1 = jnp.zeros((H,), dtype=jnp.float32)
    W2 = jax.random.uniform(k4, (H, H), dtype=jnp.float32, minval=-s2, maxval=s2)
    b2 = jnp.zeros((H,), dtype=jnp.float32)
    return {"x": x, "edge_index": edge_index, "W1": W1, "b1": b1, "W2": W2, "b2": b2}


def _gcn_conv(x, edge_index, W, b, num_nodes):
    # GCNConv: A_hat = D^{-1/2} (A + I) D^{-1/2}; out = A_hat @ (x @ W) + b
    src = edge_index[0]
    dst = edge_index[1]
    loop = jnp.arange(num_nodes, dtype=edge_index.dtype)
    src = jnp.concatenate([src, loop])
    dst = jnp.concatenate([dst, loop])
    w = jnp.ones(src.shape[0], dtype=x.dtype)
    deg = jnp.zeros((num_nodes,), dtype=x.dtype).at[dst].add(w)
    deg_inv_sqrt = jnp.where(deg > 0, 1.0 / jnp.sqrt(deg), 0.0)
    norm = deg_inv_sqrt[src] * w * deg_inv_sqrt[dst]
    xw = x @ W
    msg = jnp.take(xw, src, axis=0) * norm[:, None]
    out = jax.ops.segment_sum(msg, dst, num_segments=num_nodes)
    return out + b


def reference(x, edge_index, W1, b1, W2, b2):
    # layer 1 + ReLU activation
    z = _gcn_conv(x, edge_index, W1, b1, N)
    z = jax.nn.relu(z)
    # layer 2 (last layer) + L2 normalize (F.normalize p=2 dim=-1)
    z = _gcn_conv(z, edge_index, W2, b2, N)
    nrm = jnp.linalg.norm(z, ord=2, axis=-1, keepdims=True)
    z = z / jnp.maximum(nrm, 1e-12)
    return z

if __name__ == "__main__":
    import jax
    _d = setup_inputs()
    print(jax.jit(kernel)(*tuple(_d.values())))

</pallas_src>

<mosaic_0001>
#map = affine_map<(d0, d1) -> (0, 0)>
#map1 = affine_map<(d0, d1) -> (0, 0, 0)>
module attributes {stable_mosaic.version = 14 : i64} {
  func.func @_agg_kernel(%arg0: i32, %arg1: i32, %arg2: memref<10240x128xf32, #tpu.memory_space<hbm>>, %arg3: memref<32x128x80xi32, #tpu.memory_space<hbm>>, %arg4: memref<32x128x80xi32, #tpu.memory_space<hbm>>, %arg5: memref<10240x128xf32, #tpu.memory_space<hbm>>, %arg6: memref<2x10240x128xf32, #tpu.memory_space<hbm>>, %arg7: memref<64x80xi32, #tpu.memory_space<vmem>>, %arg8: memref<64x80xi32, #tpu.memory_space<vmem>>, %arg9: memref<3x80x128xf32, #tpu.memory_space<vmem>>, %arg10: memref<10240x128xf32, #tpu.memory_space<vmem_shared>>, %arg11: memref<3x!tpu.dma_semaphore, #tpu.memory_space<semaphore_mem>>) attributes {dimension_semantics = [#tpu.dimension_semantics<core_parallel>, #tpu.dimension_semantics<subcore_parallel>], iteration_bounds = array<i64: 2, 16>, scalar_prefetch = 0 : i64, scratch_operands = 5 : i64, tpu.core_type = #tpu.core_type<sc_vector_subcore>, window_params = [{transform_indices = #map}, {transform_indices = #map1}, {transform_indices = #map1}, {transform_indices = #map}, {transform_indices = #map1}]} {
    %mul3A = arith.constant 16 : i32
    %mul3A_0 = arith.muli %arg0, %mul3A : i32
    %add3A = arith.addi %mul3A_0, %arg1 : i32
    %mul3A_1 = arith.constant 640 : i32
    %mul3A_2 = arith.muli %arg1, %mul3A_1 : i32
    %mul3A_3 = arith.constant 640 : i32
    %mul3A_4 = arith.muli %arg1, %mul3A_3 : i32
    "tpu.region"() ({
      %run_scoped3A = tpu.sem_alloc : memref<!tpu.dma_semaphore, #tpu.memory_space<semaphore_mem>>
      %dma_start3A_80 = arith.constant 0 : i32
      %dma_start3A_81 = tpu.memref_slice %arg10[%mul3A_4, %dma_start3A_80] : memref<10240x128xf32, #tpu.memory_space<vmem_shared>> -> memref<640x128xf32, #tpu.memory_space<vmem_shared>>
      %dma_start3A_82 = arith.constant 0 : i32
      %dma_start3A_83 = tpu.memref_slice %arg5[%mul3A_2, %dma_start3A_82] : memref<10240x128xf32, #tpu.memory_space<hbm>> -> memref<640x128xf32, #tpu.memory_space<hbm>>
      tpu.enqueue_dma source(%dma_start3A_83 : memref<640x128xf32, #tpu.memory_space<hbm>>) target(%dma_start3A_81 : memref<640x128xf32, #tpu.memory_space<vmem_shared>>) target_semaphore(%run_scoped3A : memref<!tpu.dma_semaphore, #tpu.memory_space<semaphore_mem>>)
      %dma_wait3A = arith.constant 0 : i32
      %dma_wait3A_84 = tpu.memref_slice %arg10[%mul3A_4, %dma_wait3A] : memref<10240x128xf32, #tpu.memory_space<vmem_shared>> -> memref<640x128xf32, #tpu.memory_space<vmem_shared>>
      %dma_wait3A_85 = arith.constant 0 : i32
      %dma_wait3A_86 = tpu.memref_slice %arg5[%mul3A_2, %dma_wait3A_85] : memref<10240x128xf32, #tpu.memory_space<hbm>> -> memref<640x128xf32, #tpu.memory_space<hbm>>
      tpu.wait_dma2 semaphore(%run_scoped3A : memref<!tpu.dma_semaphore, #tpu.memory_space<semaphore_mem>>) src(%dma_wait3A_86 : memref<640x128xf32, #tpu.memory_space<hbm>>) dst(%dma_wait3A_84 : memref<640x128xf32, #tpu.memory_space<vmem_shared>>)
      tpu.yield
    }) : () -> ()
    %barrier3A = arith.constant 0 : index
    tpu.barrier barrier_id(%barrier3A)
    "tpu.region"() ({
      %run_scoped3A = tpu.sem_alloc : memref<!tpu.dma_semaphore, #tpu.memory_space<semaphore_mem>>
      %dma_start3A_80 = arith.constant 0 : i32
      %dma_start3A_81 = arith.constant 0 : i32
      %dma_start3A_82 = tpu.memref_slice %arg3[%add3A, %dma_start3A_80, %dma_start3A_81] : memref<32x128x80xi32, #tpu.memory_space<hbm>> -> memref<1x64x80xi32, #tpu.memory_space<hbm>>
      %dma_start3A_83 = tpu.memref_squeeze %dma_start3A_82 : memref<1x64x80xi32, #tpu.memory_space<hbm>> -> memref<64x80xi32, #tpu.memory_space<hbm>>
      %dma_start3A_84 = arith.constant 0 : i32
      %dma_start3A_85 = arith.constant 0 : i32
      %dma_start3A_86 = tpu.memref_slice %arg3[%add3A, %dma_start3A_84, %dma_start3A_85] : memref<32x128x80xi32, #tpu.memory_space<hbm>> -> memref<1x64x80xi32, #tpu.memory_space<hbm>>
      %dma_start3A_87 = tpu.memref_squeeze %dma_start3A_86 : memref<1x64x80xi32, #tpu.memory_space<hbm>> -> memref<64x80xi32, #tpu.memory_space<hbm>>
      tpu.enqueue_dma source(%dma_start3A_87 : memref<64x80xi32, #tpu.memory_space<hbm>>) target(%arg7 : memref<64x80xi32, #tpu.memory_space<vmem>>) target_semaphore(%run_scoped3A : memref<!tpu.dma_semaphore, #tpu.memory_space<semaphore_mem>>)
      %dma_wait3A = arith.constant 0 : i32
      %dma_wait3A_88 = arith.constant 0 : i32
      %dma_wait3A_89 = tpu.memref_slice %arg3[%add3A, %dma_wait3A, %dma_wait3A_88] : memref<32x128x80xi32, #tpu.memory_space<hbm>> -> memref<1x64x80xi32, #tpu.memory_space<hbm>>
      %dma_wait3A_90 = tpu.memref_squeeze %dma_wait3A_89 : memref<1x64x80xi32, #tpu.memory_space<hbm>> -> memref<64x80xi32, #tpu.memory_space<hbm>>
      %dma_wait3A_91 = arith.constant 0 : i32
      %dma_wait3A_92 = arith.constant 0 : i32
      %dma_wait3A_93 = tpu.memref_slice %arg3[%add3A, %dma_wait3A_91, %dma_wait3A_92] : memref<32x128x80xi32, #tpu.memory_space<hbm>> -> memref<1x64x80xi32, #tpu.memory_space<hbm>>
      %dma_wait3A_94 = tpu.memref_squeeze %dma_wait3A_93 : memref<1x64x80xi32, #tpu.memory_space<hbm>> -> memref<64x80xi32, #tpu.memory_space<hbm>>
      tpu.wait_dma2 semaphore(%run_scoped3A : memref<!tpu.dma_semaphore, #tpu.memory_space<semaphore_mem>>) src(%dma_wait3A_94 : memref<64x80xi32, #tpu.memory_space<hbm>>) dst(%arg7 : memref<64x80xi32, #tpu.memory_space<vmem>>)
      tpu.yield
    }) : () -> ()
    "tpu.region"() ({
      %run_scoped3A = tpu.sem_alloc : memref<!tpu.dma_semaphore, #tpu.memory_space<semaphore_mem>>
      %dma_start3A_80 = arith.constant 0 : i32
      %dma_start3A_81 = arith.constant 0 : i32
      %dma_start3A_82 = tpu.memref_slice %arg4[%add3A, %dma_start3A_80, %dma_start3A_81] : memref<32x128x80xi32, #tpu.memory_space<hbm>> -> memref<1x64x80xi32, #tpu.memory_space<hbm>>
      %dma_start3A_83 = tpu.memref_squeeze %dma_start3A_82 : memref<1x64x80xi32, #tpu.memory_space<hbm>> -> memref<64x80xi32, #tpu.memory_space<hbm>>
      %dma_start3A_84 = arith.constant 0 : i32
      %dma_start3A_85 = arith.constant 0 : i32
      %dma_start3A_86 = tpu.memref_slice %arg4[%add3A, %dma_start3A_84, %dma_start3A_85] : memref<32x128x80xi32, #tpu.memory_space<hbm>> -> memref<1x64x80xi32, #tpu.memory_space<hbm>>
      %dma_start3A_87 = tpu.memref_squeeze %dma_start3A_86 : memref<1x64x80xi32, #tpu.memory_space<hbm>> -> memref<64x80xi32, #tpu.memory_space<hbm>>
      tpu.enqueue_dma source(%dma_start3A_87 : memref<64x80xi32, #tpu.memory_space<hbm>>) target(%arg8 : memref<64x80xi32, #tpu.memory_space<vmem>>) target_semaphore(%run_scoped3A : memref<!tpu.dma_semaphore, #tpu.memory_space<semaphore_mem>>)
      %dma_wait3A = arith.constant 0 : i32
      %dma_wait3A_88 = arith.constant 0 : i32
      %dma_wait3A_89 = tpu.memref_slice %arg4[%add3A, %dma_wait3A, %dma_wait3A_88] : memref<32x128x80xi32, #tpu.memory_space<hbm>> -> memref<1x64x80xi32, #tpu.memory_space<hbm>>
      %dma_wait3A_90 = tpu.memref_squeeze %dma_wait3A_89 : memref<1x64x80xi32, #tpu.memory_space<hbm>> -> memref<64x80xi32, #tpu.memory_space<hbm>>
      %dma_wait3A_91 = arith.constant 0 : i32
      %dma_wait3A_92 = arith.constant 0 : i32
      %dma_wait3A_93 = tpu.memref_slice %arg4[%add3A, %dma_wait3A_91, %dma_wait3A_92] : memref<32x128x80xi32, #tpu.memory_space<hbm>> -> memref<1x64x80xi32, #tpu.memory_space<hbm>>
      %dma_wait3A_94 = tpu.memref_squeeze %dma_wait3A_93 : memref<1x64x80xi32, #tpu.memory_space<hbm>> -> memref<64x80xi32, #tpu.memory_space<hbm>>
      tpu.wait_dma2 semaphore(%run_scoped3A : memref<!tpu.dma_semaphore, #tpu.memory_space<semaphore_mem>>) src(%dma_wait3A_94 : memref<64x80xi32, #tpu.memory_space<hbm>>) dst(%arg8 : memref<64x80xi32, #tpu.memory_space<vmem>>)
      tpu.yield
    }) : () -> ()
    %dma_start3A = arith.constant 0 : i32
    %dma_start3A_5 = arith.constant 0 : i32
    %dma_start3A_6 = arith.constant 0 : i32
    %dma_start3A_7 = arith.constant 0 : i32
    %dma_start3A_8 = arith.constant 0 : i32
    %dma_start3A_9 = tpu.memref_slice %arg9[%dma_start3A_5, %dma_start3A_7, %dma_start3A_8] : memref<3x80x128xf32, #tpu.memory_space<vmem>> -> memref<1x80x128xf32, #tpu.memory_space<vmem>>
    %dma_start3A_10 = tpu.memref_squeeze %dma_start3A_9 : memref<1x80x128xf32, #tpu.memory_space<vmem>> -> memref<80x128xf32, #tpu.memory_space<vmem>>
    %dma_start3A_11 = arith.constant 0 : i32
    %dma_start3A_12 = tpu.memref_slice %arg7[%dma_start3A, %dma_start3A_11] : memref<64x80xi32, #tpu.memory_space<vmem>> -> memref<1x80xi32, #tpu.memory_space<vmem>>
    %dma_start3A_13 = tpu.memref_squeeze %dma_start3A_12 : memref<1x80xi32, #tpu.memory_space<vmem>> -> memref<80xi32, #tpu.memory_space<vmem>>
    %dma_start3A_14 = arith.constant 0 : i32
    %dma_start3A_15 = arith.constant 0 : i32
    %dma_start3A_16 = tpu.memref_slice %arg2[%dma_start3A_14, %dma_start3A_15] : memref<10240x128xf32, #tpu.memory_space<hbm>> -> memref<10240x128xf32, #tpu.memory_space<hbm>>
    %dma_start3A_17 = tpu.memref_slice %arg11[%dma_start3A_6] : memref<3x!tpu.dma_semaphore, #tpu.memory_space<semaphore_mem>> -> memref<1x!tpu.dma_semaphore, #tpu.memory_space<semaphore_mem>>
    %dma_start3A_18 = tpu.memref_squeeze %dma_start3A_17 : memref<1x!tpu.dma_semaphore, #tpu.memory_space<semaphore_mem>> -> memref<!tpu.dma_semaphore, #tpu.memory_space<semaphore_mem>>
    tpu.enqueue_indirect_dma source(%dma_start3A_16 : memref<10240x128xf32, #tpu.memory_space<hbm>>) target(%dma_start3A_10 : memref<80x128xf32, #tpu.memory_space<vmem>>) offsets(%dma_start3A_13 : memref<80xi32, #tpu.memory_space<vmem>>) semaphore(%dma_start3A_18 : memref<!tpu.dma_semaphore, #tpu.memory_space<semaphore_mem>>)
    %dma_start3A_19 = arith.constant 1 : i32
    %dma_start3A_20 = arith.constant 1 : i32
    %dma_start3A_21 = arith.constant 1 : i32
    %dma_start3A_22 = arith.constant 0 : i32
    %dma_start3A_23 = arith.constant 0 : i32
    %dma_start3A_24 = tpu.memref_slice %arg9[%dma_start3A_20, %dma_start3A_22, %dma_start3A_23] : memref<3x80x128xf32, #tpu.memory_space<vmem>> -> memref<1x80x128xf32, #tpu.memory_space<vmem>>
    %dma_start3A_25 = tpu.memref_squeeze %dma_start3A_24 : memref<1x80x128xf32, #tpu.memory_space<vmem>> -> memref<80x128xf32, #tpu.memory_space<vmem>>
    %dma_start3A_26 = arith.constant 0 : i32
    %dma_start3A_27 = tpu.memref_slice %arg7[%dma_start3A_19, %dma_start3A_26] : memref<64x80xi32, #tpu.memory_space<vmem>> -> memref<1x80xi32, #tpu.memory_space<vmem>>
    %dma_start3A_28 = tpu.memref_squeeze %dma_start3A_27 : memref<1x80xi32, #tpu.memory_space<vmem>> -> memref<80xi32, #tpu.memory_space<vmem>>
    %dma_start3A_29 = arith.constant 0 : i32
    %dma_start3A_30 = arith.constant 0 : i32
    %dma_start3A_31 = tpu.memref_slice %arg2[%dma_start3A_29, %dma_start3A_30] : memref<10240x128xf32, #tpu.memory_space<hbm>> -> memref<10240x128xf32, #tpu.memory_space<hbm>>
    %dma_start3A_32 = tpu.memref_slice %arg11[%dma_start3A_21] : memref<3x!tpu.dma_semaphore, #tpu.memory_space<semaphore_mem>> -> memref<1x!tpu.dma_semaphore, #tpu.memory_space<semaphore_mem>>
    %dma_start3A_33 = tpu.memref_squeeze %dma_start3A_32 : memref<1x!tpu.dma_semaphore, #tpu.memory_space<semaphore_mem>> -> memref<!tpu.dma_semaphore, #tpu.memory_space<semaphore_mem>>
    tpu.enqueue_indirect_dma source(%dma_start3A_31 : memref<10240x128xf32, #tpu.memory_space<hbm>>) target(%dma_start3A_25 : memref<80x128xf32, #tpu.memory_space<vmem>>) offsets(%dma_start3A_28 : memref<80xi32, #tpu.memory_space<vmem>>) semaphore(%dma_start3A_33 : memref<!tpu.dma_semaphore, #tpu.memory_space<semaphore_mem>>)
    %scan3A = arith.constant 0 : i32
    %scan3A_34 = arith.constant 0 : i32
    %scan3A_35 = arith.constant 64 : i32
    %scan3A_36 = arith.addi %scan3A_34, %scan3A_35 : i32
    %scan3A_37 = arith.constant 1 : i32
    scf.for %scan3A_80 = %scan3A_34 to %scan3A_36 step %scan3A_37  : i32 {
      %jit3A = arith.constant 3 : i32
      %eq3A = arith.constant 0 : i32
      %eq3A_81 = arith.cmpi eq, %jit3A, %eq3A : i32
      %jit3A_82 = arith.constant 1 : i32
      %select_n3A = arith.select %eq3A_81, %jit3A_82, %jit3A : i32
      %rem3A = arith.remsi %scan3A_80, %select_n3A : i32
      %ne3A = arith.constant 0 : i32
      %ne3A_83 = arith.cmpi ne, %rem3A, %ne3A : i32
      %lt3A = arith.constant 0 : i32
      %lt3A_84 = arith.cmpi slt, %rem3A, %lt3A : i32
      %lt3A_85 = arith.constant 0 : i32
      %lt3A_86 = arith.cmpi slt, %select_n3A, %lt3A_85 : i32
      %ne3A_87 = arith.xori %lt3A_84, %lt3A_86 : i1
      %and3A = arith.andi %ne3A_87, %ne3A_83 : i1
      %add3A_88 = arith.addi %rem3A, %select_n3A : i32
      %select_n3A_89 = arith.select %and3A, %add3A_88, %rem3A : i32
      %add3A_90 = arith.constant 2 : i32
      %add3A_91 = arith.addi %scan3A_80, %add3A_90 : i32
      %jit3A_92 = arith.constant 3 : i32
      %eq3A_93 = arith.constant 0 : i32
      %eq3A_94 = arith.cmpi eq, %jit3A_92, %eq3A_93 : i32
      %jit3A_95 = arith.constant 1 : i32
      %select_n3A_96 = arith.select %eq3A_94, %jit3A_95, %jit3A_92 : i32
      %rem3A_97 = arith.remsi %add3A_91, %select_n3A_96 : i32
      %ne3A_98 = arith.constant 0 : i32
      %ne3A_99 = arith.cmpi ne, %rem3A_97, %ne3A_98 : i32
      %lt3A_100 = arith.constant 0 : i32
      %lt3A_101 = arith.cmpi slt, %rem3A_97, %lt3A_100 : i32
      %lt3A_102 = arith.constant 0 : i32
      %lt3A_103 = arith.cmpi slt, %select_n3A_96, %lt3A_102 : i32
      %ne3A_104 = arith.xori %lt3A_101, %lt3A_103 : i1
      %and3A_105 = arith.andi %ne3A_104, %ne3A_99 : i1
      %add3A_106 = arith.addi %rem3A_97, %select_n3A_96 : i32
      %select_n3A_107 = arith.select %and3A_105, %add3A_106, %rem3A_97 : i32
      %lt3A_108 = arith.constant 64 : i32
      %lt3A_109 = arith.cmpi slt, %add3A_91, %lt3A_108 : i32
      %convert_element_type3A = arith.extui %lt3A_109 : i1 to i32
      %cond3A = arith.constant 0 : i32
      %cond3A_110 = arith.cmpi ne, %convert_element_type3A, %cond3A : i32
      scf.if %cond3A_110 {
        %dma_start3A_126 = arith.constant 0 : i32
        %dma_start3A_127 = arith.constant 0 : i32
        %dma_start3A_128 = tpu.memref_slice %arg9[%select_n3A_107, %dma_start3A_126, %dma_start3A_127] : memref<3x80x128xf32, #tpu.memory_space<vmem>> -> memref<1x80x128xf32, #tpu.memory_space<vmem>>
        %dma_start3A_129 = tpu.memref_squeeze %dma_start3A_128 : memref<1x80x128xf32, #tpu.memory_space<vmem>> -> memref<80x128xf32, #tpu.memory_space<vmem>>
        %dma_start3A_130 = arith.constant 0 : i32
        %dma_start3A_131 = tpu.memref_slice %arg7[%add3A_91, %dma_start3A_130] : memref<64x80xi32, #tpu.memory_space<vmem>> -> memref<1x80xi32, #tpu.memory_space<vmem>>
        %dma_start3A_132 = tpu.memref_squeeze %dma_start3A_131 : memref<1x80xi32, #tpu.memory_space<vmem>> -> memref<80xi32, #tpu.memory_space<vmem>>
        %dma_start3A_133 = arith.constant 0 : i32
        %dma_start3A_134 = arith.constant 0 : i32
        %dma_start3A_135 = tpu.memref_slice %arg2[%dma_start3A_133, %dma_start3A_134] : memref<10240x128xf32, #tpu.memory_space<hbm>> -> memref<10240x128xf32, #tpu.memory_space<hbm>>
        %dma_start3A_136 = tpu.memref_slice %arg11[%select_n3A_107] : memref<3x!tpu.dma_semaphore, #tpu.memory_space<semaphore_mem>> -> memref<1x!tpu.dma_semaphore, #tpu.memory_space<semaphore_mem>>
        %dma_start3A_137 = tpu.memref_squeeze %dma_start3A_136 : memref<1x!tpu.dma_semaphore, #tpu.memory_space<semaphore_mem>> -> memref<!tpu.dma_semaphore, #tpu.memory_space<semaphore_mem>>
        tpu.enqueue_indirect_dma source(%dma_start3A_135 : memref<10240x128xf32, #tpu.memory_space<hbm>>) target(%dma_start3A_129 : memref<80x128xf32, #tpu.memory_space<vmem>>) offsets(%dma_start3A_132 : memref<80xi32, #tpu.memory_space<vmem>>) semaphore(%dma_start3A_137 : memref<!tpu.dma_semaphore, #tpu.memory_space<semaphore_mem>>)
      } else {
      }
      %dma_wait3A = arith.constant 0 : i32
      %dma_wait3A_111 = arith.constant 0 : i32
      %dma_wait3A_112 = tpu.memref_slice %arg9[%select_n3A_89, %dma_wait3A, %dma_wait3A_111] : memref<3x80x128xf32, #tpu.memory_space<vmem>> -> memref<1x80x128xf32, #tpu.memory_space<vmem>>
      %dma_wait3A_113 = tpu.memref_squeeze %dma_wait3A_112 : memref<1x80x128xf32, #tpu.memory_space<vmem>> -> memref<80x128xf32, #tpu.memory_space<vmem>>
      %dma_wait3A_114 = arith.constant 0 : i32
      %dma_wait3A_115 = arith.constant 0 : i32
      %dma_wait3A_116 = tpu.memref_slice %arg2[%dma_wait3A_114, %dma_wait3A_115] : memref<10240x128xf32, #tpu.memory_space<hbm>> -> memref<80x128xf32, #tpu.memory_space<hbm>>
      %dma_wait3A_117 = tpu.memref_slice %arg11[%select_n3A_89] : memref<3x!tpu.dma_semaphore, #tpu.memory_space<semaphore_mem>> -> memref<1x!tpu.dma_semaphore, #tpu.memory_space<semaphore_mem>>
      %dma_wait3A_118 = tpu.memref_squeeze %dma_wait3A_117 : memref<1x!tpu.dma_semaphore, #tpu.memory_space<semaphore_mem>> -> memref<!tpu.dma_semaphore, #tpu.memory_space<semaphore_mem>>
      %dma_wait3A_119 = arith.constant 0 : i32
      %dma_wait3A_120 = arith.constant 0 : i32
      %dma_wait3A_121 = tpu.memref_slice %arg9[%select_n3A_89, %dma_wait3A_119, %dma_wait3A_120] : memref<3x80x128xf32, #tpu.memory_space<vmem>> -> memref<1x80x128xf32, #tpu.memory_space<vmem>>
      %dma_wait3A_122 = tpu.memref_squeeze %dma_wait3A_121 : memref<1x80x128xf32, #tpu.memory_space<vmem>> -> memref<80x128xf32, #tpu.memory_space<vmem>>
      %dma_wait3A_123 = arith.constant 0 : i32
      %dma_wait3A_124 = arith.constant 0 : i32
      %dma_wait3A_125 = tpu.memref_slice %arg2[%dma_wait3A_123, %dma_wait3A_124] : memref<10240x128xf32, #tpu.memory_space<hbm>> -> memref<80x128xf32, #tpu.memory_space<hbm>>
      tpu.wait_dma2 semaphore(%dma_wait3A_118 : memref<!tpu.dma_semaphore, #tpu.memory_space<semaphore_mem>>) src(%dma_wait3A_125 : memref<80x128xf32, #tpu.memory_space<hbm>>) dst(%dma_wait3A_122 : memref<80x128xf32, #tpu.memory_space<vmem>>)
      "tpu.region"() ({
        %run_scoped3A = tpu.sem_alloc : memref<!tpu.dma_semaphore, #tpu.memory_space<semaphore_mem>>
        %dma_start3A_126 = arith.constant 0 : i32
        %dma_start3A_127 = arith.constant 0 : i32
        %dma_start3A_128 = tpu.memref_slice %arg9[%select_n3A_89, %dma_start3A_126, %dma_start3A_127] : memref<3x80x128xf32, #tpu.memory_space<vmem>> -> memref<1x80x128xf32, #tpu.memory_space<vmem>>
        %dma_start3A_129 = tpu.memref_squeeze %dma_start3A_128 : memref<1x80x128xf32, #tpu.memory_space<vmem>> -> memref<80x128xf32, #tpu.memory_space<vmem>>
        %dma_start3A_130 = arith.constant 0 : i32
        %dma_start3A_131 = tpu.memref_slice %arg8[%scan3A_80, %dma_start3A_130] : memref<64x80xi32, #tpu.memory_space<vmem>> -> memref<1x80xi32, #tpu.memory_space<vmem>>
        %dma_start3A_132 = tpu.memref_squeeze %dma_start3A_131 : memref<1x80xi32, #tpu.memory_space<vmem>> -> memref<80xi32, #tpu.memory_space<vmem>>
        %dma_start3A_133 = arith.constant 0 : i32
        %dma_start3A_134 = arith.constant 0 : i32
        %dma_start3A_135 = tpu.memref_slice %arg10[%dma_start3A_133, %dma_start3A_134] : memref<10240x128xf32, #tpu.memory_space<vmem_shared>> -> memref<10240x128xf32, #tpu.memory_space<vmem_shared>>
        tpu.enqueue_indirect_dma source(%dma_start3A_129 : memref<80x128xf32, #tpu.memory_space<vmem>>) target(%dma_start3A_135 : memref<10240x128xf32, #tpu.memory_space<vmem_shared>>) offsets(%dma_start3A_132 : memref<80xi32, #tpu.memory_space<vmem>>) semaphore(%run_scoped3A : memref<!tpu.dma_semaphore, #tpu.memory_space<semaphore_mem>>) {add = true}
        %dma_wait3A_136 = arith.constant 0 : i32
        %dma_wait3A_137 = arith.constant 0 : i32
        %dma_wait3A_138 = tpu.memref_slice %arg9[%select_n3A_89, %dma_wait3A_136, %dma_wait3A_137] : memref<3x80x128xf32, #tpu.memory_space<vmem>> -> memref<1x80x128xf32, #tpu.memory_space<vmem>>
        %dma_wait3A_139 = tpu.memref_squeeze %dma_wait3A_138 : memref<1x80x128xf32, #tpu.memory_space<vmem>> -> memref<80x128xf32, #tpu.memory_space<vmem>>
        %dma_wait3A_140 = arith.constant 0 : i32
        %dma_wait3A_141 = tpu.memref_slice %arg8[%scan3A_80, %dma_wait3A_140] : memref<64x80xi32, #tpu.memory_space<vmem>> -> memref<1x80xi32, #tpu.memory_space<vmem>>
        %dma_wait3A_142 = tpu.memref_squeeze %dma_wait3A_141 : memref<1x80xi32, #tpu.memory_space<vmem>> -> memref<80xi32, #tpu.memory_space<vmem>>
        %dma_wait3A_143 = arith.constant 0 : i32
        %dma_wait3A_144 = arith.constant 0 : i32
        %dma_wait3A_145 = tpu.memref_slice %arg10[%dma_wait3A_143, %dma_wait3A_144] : memref<10240x128xf32, #tpu.memory_space<vmem_shared>> -> memref<10240x128xf32, #tpu.memory_space<vmem_shared>>
        tpu.wait_indirect_dma semaphore(%run_scoped3A : memref<!tpu.dma_semaphore, #tpu.memory_space<semaphore_mem>>) src(%dma_wait3A_139 : memref<80x128xf32, #tpu.memory_space<vmem>>) dst(%dma_wait3A_145 : memref<10240x128xf32, #tpu.memory_space<vmem_shared>>)
        tpu.yield
      }) : () -> ()
    }
    %scan3A_38 = arith.constant 64 : i32
    "tpu.region"() ({
      %run_scoped3A = tpu.sem_alloc : memref<!tpu.dma_semaphore, #tpu.memory_space<semaphore_mem>>
      %dma_start3A_80 = arith.constant 64 : i32
      %dma_start3A_81 = arith.constant 0 : i32
      %dma_start3A_82 = tpu.memref_slice %arg3[%add3A, %dma_start3A_80, %dma_start3A_81] : memref<32x128x80xi32, #tpu.memory_space<hbm>> -> memref<1x64x80xi32, #tpu.memory_space<hbm>>
      %dma_start3A_83 = tpu.memref_squeeze %dma_start3A_82 : memref<1x64x80xi32, #tpu.memory_space<hbm>> -> memref<64x80xi32, #tpu.memory_space<hbm>>
      %dma_start3A_84 = arith.constant 64 : i32
      %dma_start3A_85 = arith.constant 0 : i32
      %dma_start3A_86 = tpu.memref_slice %arg3[%add3A, %dma_start3A_84, %dma_start3A_85] : memref<32x128x80xi32, #tpu.memory_space<hbm>> -> memref<1x64x80xi32, #tpu.memory_space<hbm>>
      %dma_start3A_87 = tpu.memref_squeeze %dma_start3A_86 : memref<1x64x80xi32, #tpu.memory_space<hbm>> -> memref<64x80xi32, #tpu.memory_space<hbm>>
      tpu.enqueue_dma source(%dma_start3A_87 : memref<64x80xi32, #tpu.memory_space<hbm>>) target(%arg7 : memref<64x80xi32, #tpu.memory_space<vmem>>) target_semaphore(%run_scoped3A : memref<!tpu.dma_semaphore, #tpu.memory_space<semaphore_mem>>)
      %dma_wait3A = arith.constant 64 : i32
      %dma_wait3A_88 = arith.constant 0 : i32
      %dma_wait3A_89 = tpu.memref_slice %arg3[%add3A, %dma_wait3A, %dma_wait3A_88] : memref<32x128x80xi32, #tpu.memory_space<hbm>> -> memref<1x64x80xi32, #tpu.memory_space<hbm>>
      %dma_wait3A_90 = tpu.memref_squeeze %dma_wait3A_89 : memref<1x64x80xi32, #tpu.memory_space<hbm>> -> memref<64x80xi32, #tpu.memory_space<hbm>>
      %dma_wait3A_91 = arith.constant 64 : i32
      %dma_wait3A_92 = arith.constant 0 : i32
      %dma_wait3A_93 = tpu.memref_slice %arg3[%add3A, %dma_wait3A_91, %dma_wait3A_92] : memref<32x128x80xi32, #tpu.memory_space<hbm>> -> memref<1x64x80xi32, #tpu.memory_space<hbm>>
      %dma_wait3A_94 = tpu.memref_squeeze %dma_wait3A_93 : memref<1x64x80xi32, #tpu.memory_space<hbm>> -> memref<64x80xi32, #tpu.memory_space<hbm>>
      tpu.wait_dma2 semaphore(%run_scoped3A : memref<!tpu.dma_semaphore, #tpu.memory_space<semaphore_mem>>) src(%dma_wait3A_94 : memref<64x80xi32, #tpu.memory_space<hbm>>) dst(%arg7 : memref<64x80xi32, #tpu.memory_space<vmem>>)
      tpu.yield
    }) : () -> ()
    "tpu.region"() ({
      %run_scoped3A = tpu.sem_alloc : memref<!tpu.dma_semaphore, #tpu.memory_space<semaphore_mem>>
      %dma_start3A_80 = arith.constant 64 : i32
      %dma_start3A_81 = arith.constant 0 : i32
      %dma_start3A_82 = tpu.memref_slice %arg4[%add3A, %dma_start3A_80, %dma_start3A_81] : memref<32x128x80xi32, #tpu.memory_space<hbm>> -> memref<1x64x80xi32, #tpu.memory_space<hbm>>
      %dma_start3A_83 = tpu.memref_squeeze %dma_start3A_82 : memref<1x64x80xi32, #tpu.memory_space<hbm>> -> memref<64x80xi32, #tpu.memory_space<hbm>>
      %dma_start3A_84 = arith.constant 64 : i32
      %dma_start3A_85 = arith.constant 0 : i32
      %dma_start3A_86 = tpu.memref_slice %arg4[%add3A, %dma_start3A_84, %dma_start3A_85] : memref<32x128x80xi32, #tpu.memory_space<hbm>> -> memref<1x64x80xi32, #tpu.memory_space<hbm>>
      %dma_start3A_87 = tpu.memref_squeeze %dma_start3A_86 : memref<1x64x80xi32, #tpu.memory_space<hbm>> -> memref<64x80xi32, #tpu.memory_space<hbm>>
      tpu.enqueue_dma source(%dma_start3A_87 : memref<64x80xi32, #tpu.memory_space<hbm>>) target(%arg8 : memref<64x80xi32, #tpu.memory_space<vmem>>) target_semaphore(%run_scoped3A : memref<!tpu.dma_semaphore, #tpu.memory_space<semaphore_mem>>)
      %dma_wait3A = arith.constant 64 : i32
      %dma_wait3A_88 = arith.constant 0 : i32
      %dma_wait3A_89 = tpu.memref_slice %arg4[%add3A, %dma_wait3A, %dma_wait3A_88] : memref<32x128x80xi32, #tpu.memory_space<hbm>> -> memref<1x64x80xi32, #tpu.memory_space<hbm>>
      %dma_wait3A_90 = tpu.memref_squeeze %dma_wait3A_89 : memref<1x64x80xi32, #tpu.memory_space<hbm>> -> memref<64x80xi32, #tpu.memory_space<hbm>>
      %dma_wait3A_91 = arith.constant 64 : i32
      %dma_wait3A_92 = arith.constant 0 : i32
      %dma_wait3A_93 = tpu.memref_slice %arg4[%add3A, %dma_wait3A_91, %dma_wait3A_92] : memref<32x128x80xi32, #tpu.memory_space<hbm>> -> memref<1x64x80xi32, #tpu.memory_space<hbm>>
      %dma_wait3A_94 = tpu.memref_squeeze %dma_wait3A_93 : memref<1x64x80xi32, #tpu.memory_space<hbm>> -> memref<64x80xi32, #tpu.memory_space<hbm>>
      tpu.wait_dma2 semaphore(%run_scoped3A : memref<!tpu.dma_semaphore, #tpu.memory_space<semaphore_mem>>) src(%dma_wait3A_94 : memref<64x80xi32, #tpu.memory_space<hbm>>) dst(%arg8 : memref<64x80xi32, #tpu.memory_space<vmem>>)
      tpu.yield
    }) : () -> ()
    %dma_start3A_39 = arith.constant 0 : i32
    %dma_start3A_40 = arith.constant 0 : i32
    %dma_start3A_41 = arith.constant 0 : i32
    %dma_start3A_42 = arith.constant 0 : i32
    %dma_start3A_43 = arith.constant 0 : i32
    %dma_start3A_44 = tpu.memref_slice %arg9[%dma_start3A_40, %dma_start3A_42, %dma_start3A_43] : memref<3x80x128xf32, #tpu.memory_space<vmem>> -> memref<1x80x128xf32, #tpu.memory_space<vmem>>
    %dma_start3A_45 = tpu.memref_squeeze %dma_start3A_44 : memref<1x80x128xf32, #tpu.memory_space<vmem>> -> memref<80x128xf32, #tpu.memory_space<vmem>>
    %dma_start3A_46 = arith.constant 0 : i32
    %dma_start3A_47 = tpu.memref_slice %arg7[%dma_start3A_39, %dma_start3A_46] : memref<64x80xi32, #tpu.memory_space<vmem>> -> memref<1x80xi32, #tpu.memory_space<vmem>>
    %dma_start3A_48 = tpu.memref_squeeze %dma_start3A_47 : memref<1x80xi32, #tpu.memory_space<vmem>> -> memref<80xi32, #tpu.memory_space<vmem>>
    %dma_start3A_49 = arith.constant 0 : i32
    %dma_start3A_50 = arith.constant 0 : i32
    %dma_start3A_51 = tpu.memref_slice %arg2[%dma_start3A_49, %dma_start3A_50] : memref<10240x128xf32, #tpu.memory_space<hbm>> -> memref<10240x128xf32, #tpu.memory_space<hbm>>
    %dma_start3A_52 = tpu.memref_slice %arg11[%dma_start3A_41] : memref<3x!tpu.dma_semaphore, #tpu.memory_space<semaphore_mem>> -> memref<1x!tpu.dma_semaphore, #tpu.memory_space<semaphore_mem>>
    %dma_start3A_53 = tpu.memref_squeeze %dma_start3A_52 : memref<1x!tpu.dma_semaphore, #tpu.memory_space<semaphore_mem>> -> memref<!tpu.dma_semaphore, #tpu.memory_space<semaphore_mem>>
    tpu.enqueue_indirect_dma source(%dma_start3A_51 : memref<10240x128xf32, #tpu.memory_space<hbm>>) target(%dma_start3A_45 : memref<80x128xf32, #tpu.memory_space<vmem>>) offsets(%dma_start3A_48 : memref<80xi32, #tpu.memory_space<vmem>>) semaphore(%dma_start3A_53 : memref<!tpu.dma_semaphore, #tpu.memory_space<semaphore_mem>>)
    %dma_start3A_54 = arith.constant 1 : i32
    %dma_start3A_55 = arith.constant 1 : i32
    %dma_start3A_56 = arith.constant 1 : i32
    %dma_start3A_57 = arith.constant 0 : i32
    %dma_start3A_58 = arith.constant 0 : i32
    %dma_start3A_59 = tpu.memref_slice %arg9[%dma_start3A_55, %dma_start3A_57, %dma_start3A_58] : memref<3x80x128xf32, #tpu.memory_space<vmem>> -> memref<1x80x128xf32, #tpu.memory_space<vmem>>
    %dma_start3A_60 = tpu.memref_squeeze %dma_start3A_59 : memref<1x80x128xf32, #tpu.memory_space<vmem>> -> memref<80x128xf32, #tpu.memory_space<vmem>>
    %dma_start3A_61 = arith.constant 0 : i32
    %dma_start3A_62 = tpu.memref_slice %arg7[%dma_start3A_54, %dma_start3A_61] : memref<64x80xi32, #tpu.memory_space<vmem>> -> memref<1x80xi32, #tpu.memory_space<vmem>>
    %dma_start3A_63 = tpu.memref_squeeze %dma_start3A_62 : memref<1x80xi32, #tpu.memory_space<vmem>> -> memref<80xi32, #tpu.memory_space<vmem>>
    %dma_start3A_64 = arith.constant 0 : i32
    %dma_start3A_65 = arith.constant 0 : i32
    %dma_start3A_66 = tpu.memref_slice %arg2[%dma_start3A_64, %dma_start3A_65] : memref<10240x128xf32, #tpu.memory_space<hbm>> -> memref<10240x128xf32, #tpu.memory_space<hbm>>
    %dma_start3A_67 = tpu.memref_slice %arg11[%dma_start3A_56] : memref<3x!tpu.dma_semaphore, #tpu.memory_space<semaphore_mem>> -> memref<1x!tpu.dma_semaphore, #tpu.memory_space<semaphore_mem>>
    %dma_start3A_68 = tpu.memref_squeeze %dma_start3A_67 : memref<1x!tpu.dma_semaphore, #tpu.memory_space<semaphore_mem>> -> memref<!tpu.dma_semaphore, #tpu.memory_space<semaphore_mem>>
    tpu.enqueue_indirect_dma source(%dma_start3A_66 : memref<10240x128xf32, #tpu.memory_space<hbm>>) target(%dma_start3A_60 : memref<80x128xf32, #tpu.memory_space<vmem>>) offsets(%dma_start3A_63 : memref<80xi32, #tpu.memory_space<vmem>>) semaphore(%dma_start3A_68 : memref<!tpu.dma_semaphore, #tpu.memory_space<semaphore_mem>>)
    %scan3A_69 = arith.constant 0 : i32
    %scan3A_70 = arith.constant 0 : i32
    %scan3A_71 = arith.constant 64 : i32
    %scan3A_72 = arith.addi %scan3A_70, %scan3A_71 : i32
    %scan3A_73 = arith.constant 1 : i32
    scf.for %scan3A_80 = %scan3A_70 to %scan3A_72 step %scan3A_73  : i32 {
      %jit3A = arith.constant 3 : i32
      %eq3A = arith.constant 0 : i32
      %eq3A_81 = arith.cmpi eq, %jit3A, %eq3A : i32
      %jit3A_82 = arith.constant 1 : i32
      %select_n3A = arith.select %eq3A_81, %jit3A_82, %jit3A : i32
      %rem3A = arith.remsi %scan3A_80, %select_n3A : i32
      %ne3A = arith.constant 0 : i32
      %ne3A_83 = arith.cmpi ne, %rem3A, %ne3A : i32
      %lt3A = arith.constant 0 : i32
      %lt3A_84 = arith.cmpi slt, %rem3A, %lt3A : i32
      %lt3A_85 = arith.constant 0 : i32
      %lt3A_86 = arith.cmpi slt, %select_n3A, %lt3A_85 : i32
      %ne3A_87 = arith.xori %lt3A_84, %lt3A_86 : i1
      %and3A = arith.andi %ne3A_87, %ne3A_83 : i1
      %add3A_88 = arith.addi %rem3A, %select_n3A : i32
      %select_n3A_89 = arith.select %and3A, %add3A_88, %rem3A : i32
      %add3A_90 = arith.constant 2 : i32
      %add3A_91 = arith.addi %scan3A_80, %add3A_90 : i32
      %jit3A_92 = arith.constant 3 : i32
      %eq3A_93 = arith.constant 0 : i32
      %eq3A_94 = arith.cmpi eq, %jit3A_92, %eq3A_93 : i32
      %jit3A_95 = arith.constant 1 : i32
      %select_n3A_96 = arith.select %eq3A_94, %jit3A_95, %jit3A_92 : i32
      %rem3A_97 = arith.remsi %add3A_91, %select_n3A_96 : i32
      %ne3A_98 = arith.constant 0 : i32
      %ne3A_99 = arith.cmpi ne, %rem3A_97, %ne3A_98 : i32
      %lt3A_100 = arith.constant 0 : i32
      %lt3A_101 = arith.cmpi slt, %rem3A_97, %lt3A_100 : i32
      %lt3A_102 = arith.constant 0 : i32
      %lt3A_103 = arith.cmpi slt, %select_n3A_96, %lt3A_102 : i32
      %ne3A_104 = arith.xori %lt3A_101, %lt3A_103 : i1
      %and3A_105 = arith.andi %ne3A_104, %ne3A_99 : i1
      %add3A_106 = arith.addi %rem3A_97, %select_n3A_96 : i32
      %select_n3A_107 = arith.select %and3A_105, %add3A_106, %rem3A_97 : i32
      %lt3A_108 = arith.constant 64 : i32
      %lt3A_109 = arith.cmpi slt, %add3A_91, %lt3A_108 : i32
      %convert_element_type3A = arith.extui %lt3A_109 : i1 to i32
      %cond3A = arith.constant 0 : i32
      %cond3A_110 = arith.cmpi ne, %convert_element_type3A, %cond3A : i32
      scf.if %cond3A_110 {
        %dma_start3A_126 = arith.constant 0 : i32
        %dma_start3A_127 = arith.constant 0 : i32
        %dma_start3A_128 = tpu.memref_slice %arg9[%select_n3A_107, %dma_start3A_126, %dma_start3A_127] : memref<3x80x128xf32, #tpu.memory_space<vmem>> -> memref<1x80x128xf32, #tpu.memory_space<vmem>>
        %dma_start3A_129 = tpu.memref_squeeze %dma_start3A_128 : memref<1x80x128xf32, #tpu.memory_space<vmem>> -> memref<80x128xf32, #tpu.memory_space<vmem>>
        %dma_start3A_130 = arith.constant 0 : i32
        %dma_start3A_131 = tpu.memref_slice %arg7[%add3A_91, %dma_start3A_130] : memref<64x80xi32, #tpu.memory_space<vmem>> -> memref<1x80xi32, #tpu.memory_space<vmem>>
        %dma_start3A_132 = tpu.memref_squeeze %dma_start3A_131 : memref<1x80xi32, #tpu.memory_space<vmem>> -> memref<80xi32, #tpu.memory_space<vmem>>
        %dma_start3A_133 = arith.constant 0 : i32
        %dma_start3A_134 = arith.constant 0 : i32
        %dma_start3A_135 = tpu.memref_slice %arg2[%dma_start3A_133, %dma_start3A_134] : memref<10240x128xf32, #tpu.memory_space<hbm>> -> memref<10240x128xf32, #tpu.memory_space<hbm>>
        %dma_start3A_136 = tpu.memref_slice %arg11[%select_n3A_107] : memref<3x!tpu.dma_semaphore, #tpu.memory_space<semaphore_mem>> -> memref<1x!tpu.dma_semaphore, #tpu.memory_space<semaphore_mem>>
        %dma_start3A_137 = tpu.memref_squeeze %dma_start3A_136 : memref<1x!tpu.dma_semaphore, #tpu.memory_space<semaphore_mem>> -> memref<!tpu.dma_semaphore, #tpu.memory_space<semaphore_mem>>
        tpu.enqueue_indirect_dma source(%dma_start3A_135 : memref<10240x128xf32, #tpu.memory_space<hbm>>) target(%dma_start3A_129 : memref<80x128xf32, #tpu.memory_space<vmem>>) offsets(%dma_start3A_132 : memref<80xi32, #tpu.memory_space<vmem>>) semaphore(%dma_start3A_137 : memref<!tpu.dma_semaphore, #tpu.memory_space<semaphore_mem>>)
      } else {
      }
      %dma_wait3A = arith.constant 0 : i32
      %dma_wait3A_111 = arith.constant 0 : i32
      %dma_wait3A_112 = tpu.memref_slice %arg9[%select_n3A_89, %dma_wait3A, %dma_wait3A_111] : memref<3x80x128xf32, #tpu.memory_space<vmem>> -> memref<1x80x128xf32, #tpu.memory_space<vmem>>
      %dma_wait3A_113 = tpu.memref_squeeze %dma_wait3A_112 : memref<1x80x128xf32, #tpu.memory_space<vmem>> -> memref<80x128xf32, #tpu.memory_space<vmem>>
      %dma_wait3A_114 = arith.constant 0 : i32
      %dma_wait3A_115 = arith.constant 0 : i32
      %dma_wait3A_116 = tpu.memref_slice %arg2[%dma_wait3A_114, %dma_wait3A_115] : memref<10240x128xf32, #tpu.memory_space<hbm>> -> memref<80x128xf32, #tpu.memory_space<hbm>>
      %dma_wait3A_117 = tpu.memref_slice %arg11[%select_n3A_89] : memref<3x!tpu.dma_semaphore, #tpu.memory_space<semaphore_mem>> -> memref<1x!tpu.dma_semaphore, #tpu.memory_space<semaphore_mem>>
      %dma_wait3A_118 = tpu.memref_squeeze %dma_wait3A_117 : memref<1x!tpu.dma_semaphore, #tpu.memory_space<semaphore_mem>> -> memref<!tpu.dma_semaphore, #tpu.memory_space<semaphore_mem>>
      %dma_wait3A_119 = arith.constant 0 : i32
      %dma_wait3A_120 = arith.constant 0 : i32
      %dma_wait3A_121 = tpu.memref_slice %arg9[%select_n3A_89, %dma_wait3A_119, %dma_wait3A_120] : memref<3x80x128xf32, #tpu.memory_space<vmem>> -> memref<1x80x128xf32, #tpu.memory_space<vmem>>
      %dma_wait3A_122 = tpu.memref_squeeze %dma_wait3A_121 : memref<1x80x128xf32, #tpu.memory_space<vmem>> -> memref<80x128xf32, #tpu.memory_space<vmem>>
      %dma_wait3A_123 = arith.constant 0 : i32
      %dma_wait3A_124 = arith.constant 0 : i32
      %dma_wait3A_125 = tpu.memref_slice %arg2[%dma_wait3A_123, %dma_wait3A_124] : memref<10240x128xf32, #tpu.memory_space<hbm>> -> memref<80x128xf32, #tpu.memory_space<hbm>>
      tpu.wait_dma2 semaphore(%dma_wait3A_118 : memref<!tpu.dma_semaphore, #tpu.memory_space<semaphore_mem>>) src(%dma_wait3A_125 : memref<80x128xf32, #tpu.memory_space<hbm>>) dst(%dma_wait3A_122 : memref<80x128xf32, #tpu.memory_space<vmem>>)
      "tpu.region"() ({
        %run_scoped3A = tpu.sem_alloc : memref<!tpu.dma_semaphore, #tpu.memory_space<semaphore_mem>>
        %dma_start3A_126 = arith.constant 0 : i32
        %dma_start3A_127 = arith.constant 0 : i32
        %dma_start3A_128 = tpu.memref_slice %arg9[%select_n3A_89, %dma_start3A_126, %dma_start3A_127] : memref<3x80x128xf32, #tpu.memory_space<vmem>> -> memref<1x80x128xf32, #tpu.memory_space<vmem>>
        %dma_start3A_129 = tpu.memref_squeeze %dma_start3A_128 : memref<1x80x128xf32, #tpu.memory_space<vmem>> -> memref<80x128xf32, #tpu.memory_space<vmem>>
        %dma_start3A_130 = arith.constant 0 : i32
        %dma_start3A_131 = tpu.memref_slice %arg8[%scan3A_80, %dma_start3A_130] : memref<64x80xi32, #tpu.memory_space<vmem>> -> memref<1x80xi32, #tpu.memory_space<vmem>>
        %dma_start3A_132 = tpu.memref_squeeze %dma_start3A_131 : memref<1x80xi32, #tpu.memory_space<vmem>> -> memref<80xi32, #tpu.memory_space<vmem>>
        %dma_start3A_133 = arith.constant 0 : i32
        %dma_start3A_134 = arith.constant 0 : i32
        %dma_start3A_135 = tpu.memref_slice %arg10[%dma_start3A_133, %dma_start3A_134] : memref<10240x128xf32, #tpu.memory_space<vmem_shared>> -> memref<10240x128xf32, #tpu.memory_space<vmem_shared>>
        tpu.enqueue_indirect_dma source(%dma_start3A_129 : memref<80x128xf32, #tpu.memory_space<vmem>>) target(%dma_start3A_135 : memref<10240x128xf32, #tpu.memory_space<vmem_shared>>) offsets(%dma_start3A_132 : memref<80xi32, #tpu.memory_space<vmem>>) semaphore(%run_scoped3A : memref<!tpu.dma_semaphore, #tpu.memory_space<semaphore_mem>>) {add = true}
        %dma_wait3A_136 = arith.constant 0 : i32
        %dma_wait3A_137 = arith.constant 0 : i32
        %dma_wait3A_138 = tpu.memref_slice %arg9[%select_n3A_89, %dma_wait3A_136, %dma_wait3A_137] : memref<3x80x128xf32, #tpu.memory_space<vmem>> -> memref<1x80x128xf32, #tpu.memory_space<vmem>>
        %dma_wait3A_139 = tpu.memref_squeeze %dma_wait3A_138 : memref<1x80x128xf32, #tpu.memory_space<vmem>> -> memref<80x128xf32, #tpu.memory_space<vmem>>
        %dma_wait3A_140 = arith.constant 0 : i32
        %dma_wait3A_141 = tpu.memref_slice %arg8[%scan3A_80, %dma_wait3A_140] : memref<64x80xi32, #tpu.memory_space<vmem>> -> memref<1x80xi32, #tpu.memory_space<vmem>>
        %dma_wait3A_142 = tpu.memref_squeeze %dma_wait3A_141 : memref<1x80xi32, #tpu.memory_space<vmem>> -> memref<80xi32, #tpu.memory_space<vmem>>
        %dma_wait3A_143 = arith.constant 0 : i32
        %dma_wait3A_144 = arith.constant 0 : i32
        %dma_wait3A_145 = tpu.memref_slice %arg10[%dma_wait3A_143, %dma_wait3A_144] : memref<10240x128xf32, #tpu.memory_space<vmem_shared>> -> memref<10240x128xf32, #tpu.memory_space<vmem_shared>>
        tpu.wait_indirect_dma semaphore(%run_scoped3A : memref<!tpu.dma_semaphore, #tpu.memory_space<semaphore_mem>>) src(%dma_wait3A_139 : memref<80x128xf32, #tpu.memory_space<vmem>>) dst(%dma_wait3A_145 : memref<10240x128xf32, #tpu.memory_space<vmem_shared>>)
        tpu.yield
      }) : () -> ()
    }
    %scan3A_74 = arith.constant 64 : i32
    %barrier3A_75 = arith.constant 0 : index
    tpu.barrier barrier_id(%barrier3A_75)
    %mul3A_76 = arith.constant 640 : i32
    %mul3A_77 = arith.muli %arg1, %mul3A_76 : i32
    %mul3A_78 = arith.constant 640 : i32
    %mul3A_79 = arith.muli %arg1, %mul3A_78 : i32
    "tpu.region"() ({
      %run_scoped3A = tpu.sem_alloc : memref<!tpu.dma_semaphore, #tpu.memory_space<semaphore_mem>>
      %dma_start3A_80 = arith.constant 0 : i32
      %dma_start3A_81 = tpu.memref_slice %arg6[%arg0, %mul3A_79, %dma_start3A_80] : memref<2x10240x128xf32, #tpu.memory_space<hbm>> -> memref<1x640x128xf32, #tpu.memory_space<hbm>>
      %dma_start3A_82 = tpu.memref_squeeze %dma_start3A_81 : memref<1x640x128xf32, #tpu.memory_space<hbm>> -> memref<640x128xf32, #tpu.memory_space<hbm>>
      %dma_start3A_83 = arith.constant 0 : i32
      %dma_start3A_84 = tpu.memref_slice %arg10[%mul3A_77, %dma_start3A_83] : memref<10240x128xf32, #tpu.memory_space<vmem_shared>> -> memref<640x128xf32, #tpu.memory_space<vmem_shared>>
      tpu.enqueue_dma source(%dma_start3A_84 : memref<640x128xf32, #tpu.memory_space<vmem_shared>>) target(%dma_start3A_82 : memref<640x128xf32, #tpu.memory_space<hbm>>) target_semaphore(%run_scoped3A : memref<!tpu.dma_semaphore, #tpu.memory_space<semaphore_mem>>)
      %dma_wait3A = arith.constant 0 : i32
      %dma_wait3A_85 = tpu.memref_slice %arg6[%arg0, %mul3A_79, %dma_wait3A] : memref<2x10240x128xf32, #tpu.memory_space<hbm>> -> memref<1x640x128xf32, #tpu.memory_space<hbm>>
      %dma_wait3A_86 = tpu.memref_squeeze %dma_wait3A_85 : memref<1x640x128xf32, #tpu.memory_space<hbm>> -> memref<640x128xf32, #tpu.memory_space<hbm>>
      %dma_wait3A_87 = arith.constant 0 : i32
      %dma_wait3A_88 = tpu.memref_slice %arg10[%mul3A_77, %dma_wait3A_87] : memref<10240x128xf32, #tpu.memory_space<vmem_shared>> -> memref<640x128xf32, #tpu.memory_space<vmem_shared>>
      tpu.wait_dma2 semaphore(%run_scoped3A : memref<!tpu.dma_semaphore, #tpu.memory_space<semaphore_mem>>) src(%dma_wait3A_88 : memref<640x128xf32, #tpu.memory_space<vmem_shared>>) dst(%dma_wait3A_86 : memref<640x128xf32, #tpu.memory_space<hbm>>)
      tpu.yield
    }) : () -> ()
    return
  }
}

#map = affine_map<(d0, d1) -> (0, 0, 0)>
#map1 = affine_map<(d0, d1) -> (0, 0)>
module attributes {stable_mosaic.version = 14 : i64} {
  func.func @_deg_kernel(%arg0: i32, %arg1: i32, %arg2: memref<32x128x80xi32, #tpu.memory_space<hbm>>, %arg3: memref<10240x128xf32, #tpu.memory_space<hbm>>, %arg4: memref<2x10240x128xf32, #tpu.memory_space<hbm>>, %arg5: memref<128x80xi32, #tpu.memory_space<vmem>>, %arg6: memref<80x128xf32, #tpu.memory_space<vmem>>, %arg7: memref<10240x128xf32, #tpu.memory_space<vmem_shared>>, %arg8: memref<!tpu.dma_semaphore, #tpu.memory_space<semaphore_mem>>) attributes {dimension_semantics = [#tpu.dimension_semantics<core_parallel>, #tpu.dimension_semantics<subcore_parallel>], iteration_bounds = array<i64: 2, 16>, scalar_prefetch = 0 : i64, scratch_operands = 4 : i64, tpu.core_type = #tpu.core_type<sc_vector_subcore>, window_params = [{transform_indices = #map}, {transform_indices = #map1}, {transform_indices = #map}]} {
    %mul3A = arith.constant 16 : i32
    %mul3A_0 = arith.muli %arg0, %mul3A : i32
    %add3A = arith.addi %mul3A_0, %arg1 : i32
    %broadcast_in_dim3A = arith.constant 1.000000e+00 : f32
    %broadcast_in_dim3A_1 = vector.broadcast %broadcast_in_dim3A : f32 to vector<16xf32>
    %scan3A = arith.constant 0 : i32
    %scan3A_2 = arith.constant 0 : i32
    %scan3A_3 = arith.constant 80 : i32
    %scan3A_4 = arith.addi %scan3A_2, %scan3A_3 : i32
    %scan3A_5 = arith.constant 1 : i32
    scf.for %scan3A_28 = %scan3A_2 to %scan3A_4 step %scan3A_5  : i32 {
      %swap3A = arith.index_cast %scan3A_28 : i32 to index
      %swap3A_29 = arith.constant 0 : index
      %swap3A_30 = tpu.vector_load %arg6[%swap3A, %swap3A_29] {strides = array<i32>} : memref<80x128xf32, #tpu.memory_space<vmem>>, vector<1x16xf32>,
      %swap3A_31 = vector.shape_cast %swap3A_30 : vector<1x16xf32> to vector<16xf32>
      %swap3A_32 = vector.shape_cast %broadcast_in_dim3A_1 : vector<16xf32> to vector<1x16xf32>
      tpu.vector_store %arg6[%swap3A, %swap3A_29], %swap3A_32 {strides = array<i32>} : memref<80x128xf32, #tpu.memory_space<vmem>>, vector<1x16xf32>,
      %swap3A_33 = arith.index_cast %scan3A_28 : i32 to index
      %swap3A_34 = arith.constant 16 : index
      %swap3A_35 = tpu.vector_load %arg6[%swap3A_33, %swap3A_34] {strides = array<i32>} : memref<80x128xf32, #tpu.memory_space<vmem>>, vector<1x16xf32>,
      %swap3A_36 = vector.shape_cast %swap3A_35 : vector<1x16xf32> to vector<16xf32>
      %swap3A_37 = vector.shape_cast %broadcast_in_dim3A_1 : vector<16xf32> to vector<1x16xf32>
      tpu.vector_store %arg6[%swap3A_33, %swap3A_34], %swap3A_37 {strides = array<i32>} : memref<80x128xf32, #tpu.memory_space<vmem>>, vector<1x16xf32>,
      %swap3A_38 = arith.index_cast %scan3A_28 : i32 to index
      %swap3A_39 = arith.constant 32 : index
      %swap3A_40 = tpu.vector_load %arg6[%swap3A_38, %swap3A_39] {strides = array<i32>} : memref<80x128xf32, #tpu.memory_space<vmem>>, vector<1x16xf32>,
      %swap3A_41 = vector.shape_cast %swap3A_40 : vector<1x16xf32> to vector<16xf32>
      %swap3A_42 = vector.shape_cast %broadcast_in_dim3A_1 : vector<16xf32> to vector<1x16xf32>
      tpu.vector_store %arg6[%swap3A_38, %swap3A_39], %swap3A_42 {strides = array<i32>} : memref<80x128xf32, #tpu.memory_space<vmem>>, vector<1x16xf32>,
      %swap3A_43 = arith.index_cast %scan3A_28 : i32 to index
      %swap3A_44 = arith.constant 48 : index
      %swap3A_45 = tpu.vector_load %arg6[%swap3A_43, %swap3A_44] {strides = array<i32>} : memref<80x128xf32, #tpu.memory_space<vmem>>, vector<1x16xf32>,
      %swap3A_46 = vector.shape_cast %swap3A_45 : vector<1x16xf32> to vector<16xf32>
      %swap3A_47 = vector.shape_cast %broadcast_in_dim3A_1 : vector<16xf32> to vector<1x16xf32>
      tpu.vector_store %arg6[%swap3A_43, %swap3A_44], %swap3A_47 {strides = array<i32>} : memref<80x128xf32, #tpu.memory_space<vmem>>, vector<1x16xf32>,
      %swap3A_48 = arith.index_cast %scan3A_28 : i32 to index
      %swap3A_49 = arith.constant 64 : index
      %swap3A_50 = tpu.vector_load %arg6[%swap3A_48, %swap3A_49] {strides = array<i32>} : memref<80x128xf32, #tpu.memory_space<vmem>>, vector<1x16xf32>,
      %swap3A_51 = vector.shape_cast %swap3A_50 : vector<1x16xf32> to vector<16xf32>
      %swap3A_52 = vector.shape_cast %broadcast_in_dim3A_1 : vector<16xf32> to vector<1x16xf32>
      tpu.vector_store %arg6[%swap3A_48, %swap3A_49], %swap3A_52 {strides = array<i32>} : memref<80x128xf32, #tpu.memory_space<vmem>>, vector<1x16xf32>,
      %swap3A_53 = arith.index_cast %scan3A_28 : i32 to index
      %swap3A_54 = arith.constant 80 : index
      %swap3A_55 = tpu.vector_load %arg6[%swap3A_53, %swap3A_54] {strides = array<i32>} : memref<80x128xf32, #tpu.memory_space<vmem>>, vector<1x16xf32>,
      %swap3A_56 = vector.shape_cast %swap3A_55 : vector<1x16xf32> to vector<16xf32>
      %swap3A_57 = vector.shape_cast %broadcast_in_dim3A_1 : vector<16xf32> to vector<1x16xf32>
      tpu.vector_store %arg6[%swap3A_53, %swap3A_54], %swap3A_57 {strides = array<i32>} : memref<80x128xf32, #tpu.memory_space<vmem>>, vector<1x16xf32>,
      %swap3A_58 = arith.index_cast %scan3A_28 : i32 to index
      %swap3A_59 = arith.constant 96 : index
      %swap3A_60 = tpu.vector_load %arg6[%swap3A_58, %swap3A_59] {strides = array<i32>} : memref<80x128xf32, #tpu.memory_space<vmem>>, vector<1x16xf32>,
      %swap3A_61 = vector.shape_cast %swap3A_60 : vector<1x16xf32> to vector<16xf32>
      %swap3A_62 = vector.shape_cast %broadcast_in_dim3A_1 : vector<16xf32> to vector<1x16xf32>
      tpu.vector_store %arg6[%swap3A_58, %swap3A_59], %swap3A_62 {strides = array<i32>} : memref<80x128xf32, #tpu.memory_space<vmem>>, vector<1x16xf32>,
      %swap3A_63 = arith.index_cast %scan3A_28 : i32 to index
      %swap3A_64 = arith.constant 112 : index
      %swap3A_65 = tpu.vector_load %arg6[%swap3A_63, %swap3A_64] {strides = array<i32>} : memref<80x128xf32, #tpu.memory_space<vmem>>, vector<1x16xf32>,
      %swap3A_66 = vector.shape_cast %swap3A_65 : vector<1x16xf32> to vector<16xf32>
      %swap3A_67 = vector.shape_cast %broadcast_in_dim3A_1 : vector<16xf32> to vector<1x16xf32>
      tpu.vector_store %arg6[%swap3A_63, %swap3A_64], %swap3A_67 {strides = array<i32>} : memref<80x128xf32, #tpu.memory_space<vmem>>, vector<1x16xf32>,
    }
    %scan3A_6 = arith.constant 80 : i32
    %mul3A_7 = arith.constant 640 : i32
    %mul3A_8 = arith.muli %arg1, %mul3A_7 : i32
    %mul3A_9 = arith.constant 640 : i32
    %mul3A_10 = arith.muli %arg1, %mul3A_9 : i32
    "tpu.region"() ({
      %run_scoped3A = tpu.sem_alloc : memref<!tpu.dma_semaphore, #tpu.memory_space<semaphore_mem>>
      %dma_start3A = arith.constant 0 : i32
      %dma_start3A_28 = tpu.memref_slice %arg7[%mul3A_10, %dma_start3A] : memref<10240x128xf32, #tpu.memory_space<vmem_shared>> -> memref<640x128xf32, #tpu.memory_space<vmem_shared>>
      %dma_start3A_29 = arith.constant 0 : i32
      %dma_start3A_30 = tpu.memref_slice %arg3[%mul3A_8, %dma_start3A_29] : memref<10240x128xf32, #tpu.memory_space<hbm>> -> memref<640x128xf32, #tpu.memory_space<hbm>>
      tpu.enqueue_dma source(%dma_start3A_30 : memref<640x128xf32, #tpu.memory_space<hbm>>) target(%dma_start3A_28 : memref<640x128xf32, #tpu.memory_space<vmem_shared>>) target_semaphore(%run_scoped3A : memref<!tpu.dma_semaphore, #tpu.memory_space<semaphore_mem>>)
      %dma_wait3A = arith.constant 0 : i32
      %dma_wait3A_31 = tpu.memref_slice %arg7[%mul3A_10, %dma_wait3A] : memref<10240x128xf32, #tpu.memory_space<vmem_shared>> -> memref<640x128xf32, #tpu.memory_space<vmem_shared>>
      %dma_wait3A_32 = arith.constant 0 : i32
      %dma_wait3A_33 = tpu.memref_slice %arg3[%mul3A_8, %dma_wait3A_32] : memref<10240x128xf32, #tpu.memory_space<hbm>> -> memref<640x128xf32, #tpu.memory_space<hbm>>
      tpu.wait_dma2 semaphore(%run_scoped3A : memref<!tpu.dma_semaphore, #tpu.memory_space<semaphore_mem>>) src(%dma_wait3A_33 : memref<640x128xf32, #tpu.memory_space<hbm>>) dst(%dma_wait3A_31 : memref<640x128xf32, #tpu.memory_space<vmem_shared>>)
      tpu.yield
    }) : () -> ()
    "tpu.region"() ({
      %run_scoped3A = tpu.sem_alloc : memref<!tpu.dma_semaphore, #tpu.memory_space<semaphore_mem>>
      %dma_start3A = arith.constant 0 : i32
      %dma_start3A_28 = arith.constant 0 : i32
      %dma_start3A_29 = tpu.memref_slice %arg2[%add3A, %dma_start3A, %dma_start3A_28] : memref<32x128x80xi32, #tpu.memory_space<hbm>> -> memref<1x128x80xi32, #tpu.memory_space<hbm>>
      %dma_start3A_30 = tpu.memref_squeeze %dma_start3A_29 : memref<1x128x80xi32, #tpu.memory_space<hbm>> -> memref<128x80xi32, #tpu.memory_space<hbm>>
      %dma_start3A_31 = arith.constant 0 : i32
      %dma_start3A_32 = arith.constant 0 : i32
      %dma_start3A_33 = tpu.memref_slice %arg2[%add3A, %dma_start3A_31, %dma_start3A_32] : memref<32x128x80xi32, #tpu.memory_space<hbm>> -> memref<1x128x80xi32, #tpu.memory_space<hbm>>
      %dma_start3A_34 = tpu.memref_squeeze %dma_start3A_33 : memref<1x128x80xi32, #tpu.memory_space<hbm>> -> memref<128x80xi32, #tpu.memory_space<hbm>>
      tpu.enqueue_dma source(%dma_start3A_34 : memref<128x80xi32, #tpu.memory_space<hbm>>) target(%arg5 : memref<128x80xi32, #tpu.memory_space<vmem>>) target_semaphore(%run_scoped3A : memref<!tpu.dma_semaphore, #tpu.memory_space<semaphore_mem>>)
      %dma_wait3A = arith.constant 0 : i32
      %dma_wait3A_35 = arith.constant 0 : i32
      %dma_wait3A_36 = tpu.memref_slice %arg2[%add3A, %dma_wait3A, %dma_wait3A_35] : memref<32x128x80xi32, #tpu.memory_space<hbm>> -> memref<1x128x80xi32, #tpu.memory_space<hbm>>
      %dma_wait3A_37 = tpu.memref_squeeze %dma_wait3A_36 : memref<1x128x80xi32, #tpu.memory_space<hbm>> -> memref<128x80xi32, #tpu.memory_space<hbm>>
      %dma_wait3A_38 = arith.constant 0 : i32
      %dma_wait3A_39 = arith.constant 0 : i32
      %dma_wait3A_40 = tpu.memref_slice %arg2[%add3A, %dma_wait3A_38, %dma_wait3A_39] : memref<32x128x80xi32, #tpu.memory_space<hbm>> -> memref<1x128x80xi32, #tpu.memory_space<hbm>>
      %dma_wait3A_41 = tpu.memref_squeeze %dma_wait3A_40 : memref<1x128x80xi32, #tpu.memory_space<hbm>> -> memref<128x80xi32, #tpu.memory_space<hbm>>
      tpu.wait_dma2 semaphore(%run_scoped3A : memref<!tpu.dma_semaphore, #tpu.memory_space<semaphore_mem>>) src(%dma_wait3A_41 : memref<128x80xi32, #tpu.memory_space<hbm>>) dst(%arg5 : memref<128x80xi32, #tpu.memory_space<vmem>>)
      tpu.yield
    }) : () -> ()
    %barrier3A = arith.constant 0 : index
    tpu.barrier barrier_id(%barrier3A)
    %scan3A_11 = arith.constant 0 : i32
    %scan3A_12 = arith.constant 0 : i32
    %scan3A_13 = arith.constant 128 : i32
    %scan3A_14 = arith.addi %scan3A_12, %scan3A_13 : i32
    %scan3A_15 = arith.constant 1 : i32
    scf.for %scan3A_28 = %scan3A_12 to %scan3A_14 step %scan3A_15  : i32 {
      %dma_start3A = arith.constant 0 : i32
      %dma_start3A_29 = tpu.memref_slice %arg5[%scan3A_28, %dma_start3A] : memref<128x80xi32, #tpu.memory_space<vmem>> -> memref<1x80xi32, #tpu.memory_space<vmem>>
      %dma_start3A_30 = tpu.memref_squeeze %dma_start3A_29 : memref<1x80xi32, #tpu.memory_space<vmem>> -> memref<80xi32, #tpu.memory_space<vmem>>
      %dma_start3A_31 = arith.constant 0 : i32
      %dma_start3A_32 = arith.constant 0 : i32
      %dma_start3A_33 = tpu.memref_slice %arg7[%dma_start3A_31, %dma_start3A_32] : memref<10240x128xf32, #tpu.memory_space<vmem_shared>> -> memref<10240x128xf32, #tpu.memory_space<vmem_shared>>
      tpu.enqueue_indirect_dma source(%arg6 : memref<80x128xf32, #tpu.memory_space<vmem>>) target(%dma_start3A_33 : memref<10240x128xf32, #tpu.memory_space<vmem_shared>>) offsets(%dma_start3A_30 : memref<80xi32, #tpu.memory_space<vmem>>) semaphore(%arg8 : memref<!tpu.dma_semaphore, #tpu.memory_space<semaphore_mem>>) {add = true}
    }
    %scan3A_16 = arith.constant 128 : i32
    %scan3A_17 = arith.constant 0 : i32
    %scan3A_18 = arith.constant 0 : i32
    %scan3A_19 = arith.constant 128 : i32
    %scan3A_20 = arith.addi %scan3A_18, %scan3A_19 : i32
    %scan3A_21 = arith.constant 1 : i32
    scf.for %scan3A_28 = %scan3A_18 to %scan3A_20 step %scan3A_21  : i32 {
      %dma_wait3A = arith.constant 0 : i32
      %dma_wait3A_29 = arith.constant 0 : i32
      %dma_wait3A_30 = tpu.memref_slice %arg7[%dma_wait3A, %dma_wait3A_29] : memref<10240x128xf32, #tpu.memory_space<vmem_shared>> -> memref<80x128xf32, #tpu.memory_space<vmem_shared>>
      %dma_wait3A_31 = arith.constant 0 : i32
      %dma_wait3A_32 = arith.constant 0 : i32
      %dma_wait3A_33 = tpu.memref_slice %arg7[%dma_wait3A_31, %dma_wait3A_32] : memref<10240x128xf32, #tpu.memory_space<vmem_shared>> -> memref<80x128xf32, #tpu.memory_space<vmem_shared>>
      tpu.wait_dma2 semaphore(%arg8 : memref<!tpu.dma_semaphore, #tpu.memory_space<semaphore_mem>>) src(%arg6 : memref<80x128xf32, #tpu.memory_space<vmem>>) dst(%dma_wait3A_33 : memref<80x128xf32, #tpu.memory_space<vmem_shared>>)
    }
    %scan3A_22 = arith.constant 128 : i32
    %barrier3A_23 = arith.constant 0 : index
    tpu.barrier barrier_id(%barrier3A_23)
    %mul3A_24 = arith.constant 640 : i32
    %mul3A_25 = arith.muli %arg1, %mul3A_24 : i32
    %mul3A_26 = arith.constant 640 : i32
    %mul3A_27 = arith.muli %arg1, %mul3A_26 : i32
    "tpu.region"() ({
      %run_scoped3A = tpu.sem_alloc : memref<!tpu.dma_semaphore, #tpu.memory_space<semaphore_mem>>
      %dma_start3A = arith.constant 0 : i32
      %dma_start3A_28 = tpu.memref_slice %arg4[%arg0, %mul3A_27, %dma_start3A] : memref<2x10240x128xf32, #tpu.memory_space<hbm>> -> memref<1x640x128xf32, #tpu.memory_space<hbm>>
      %dma_start3A_29 = tpu.memref_squeeze %dma_start3A_28 : memref<1x640x128xf32, #tpu.memory_space<hbm>> -> memref<640x128xf32, #tpu.memory_space<hbm>>
      %dma_start3A_30 = arith.constant 0 : i32
      %dma_start3A_31 = tpu.memref_slice %arg7[%mul3A_25, %dma_start3A_30] : memref<10240x128xf32, #tpu.memory_space<vmem_shared>> -> memref<640x128xf32, #tpu.memory_space<vmem_shared>>
      tpu.enqueue_dma source(%dma_start3A_31 : memref<640x128xf32, #tpu.memory_space<vmem_shared>>) target(%dma_start3A_29 : memref<640x128xf32, #tpu.memory_space<hbm>>) target_semaphore(%run_scoped3A : memref<!tpu.dma_semaphore, #tpu.memory_space<semaphore_mem>>)
      %dma_wait3A = arith.constant 0 : i32
      %dma_wait3A_32 = tpu.memref_slice %arg4[%arg0, %mul3A_27, %dma_wait3A] : memref<2x10240x128xf32, #tpu.memory_space<hbm>> -> memref<1x640x128xf32, #tpu.memory_space<hbm>>
      %dma_wait3A_33 = tpu.memref_squeeze %dma_wait3A_32 : memref<1x640x128xf32, #tpu.memory_space<hbm>> -> memref<640x128xf32, #tpu.memory_space<hbm>>
      %dma_wait3A_34 = arith.constant 0 : i32
      %dma_wait3A_35 = tpu.memref_slice %arg7[%mul3A_25, %dma_wait3A_34] : memref<10240x128xf32, #tpu.memory_space<vmem_shared>> -> memref<640x128xf32, #tpu.memory_space<vmem_shared>>
      tpu.wait_dma2 semaphore(%run_scoped3A : memref<!tpu.dma_semaphore, #tpu.memory_space<semaphore_mem>>) src(%dma_wait3A_35 : memref<640x128xf32, #tpu.memory_space<vmem_shared>>) dst(%dma_wait3A_33 : memref<640x128xf32, #tpu.memory_space<hbm>>)
      tpu.yield
    }) : () -> ()
    return
  }
}

#map = affine_map<(d0, d1) -> (0, 0)>
#map1 = affine_map<(d0, d1) -> (0, 0, 0)>
module attributes {stable_mosaic.version = 14 : i64} {
  func.func @_agg_kernel(%arg0: i32, %arg1: i32, %arg2: memref<10240x128xf32, #tpu.memory_space<hbm>>, %arg3: memref<32x128x80xi32, #tpu.memory_space<hbm>>, %arg4: memref<32x128x80xi32, #tpu.memory_space<hbm>>, %arg5: memref<10240x128xf32, #tpu.memory_space<hbm>>, %arg6: memref<2x10240x128xf32, #tpu.memory_space<hbm>>, %arg7: memref<64x80xi32, #tpu.memory_space<vmem>>, %arg8: memref<64x80xi32, #tpu.memory_space<vmem>>, %arg9: memref<3x80x128xf32, #tpu.memory_space<vmem>>, %arg10: memref<10240x128xf32, #tpu.memory_space<vmem_shared>>, %arg11: memref<3x!tpu.dma_semaphore, #tpu.memory_space<semaphore_mem>>) attributes {dimension_semantics = [#tpu.dimension_semantics<core_parallel>, #tpu.dimension_semantics<subcore_parallel>], iteration_bounds = array<i64: 2, 16>, scalar_prefetch = 0 : i64, scratch_operands = 5 : i64, tpu.core_type = #tpu.core_type<sc_vector_subcore>, window_params = [{transform_indices = #map}, {transform_indices = #map1}, {transform_indices = #map1}, {transform_indices = #map}, {transform_indices = #map1}]} {
    %mul3A = arith.constant 16 : i32
    %mul3A_0 = arith.muli %arg0, %mul3A : i32
    %add3A = arith.addi %mul3A_0, %arg1 : i32
    %mul3A_1 = arith.constant 640 : i32
    %mul3A_2 = arith.muli %arg1, %mul3A_1 : i32
    %mul3A_3 = arith.constant 640 : i32
    %mul3A_4 = arith.muli %arg1, %mul3A_3 : i32
    "tpu.region"() ({
      %run_scoped3A = tpu.sem_alloc : memref<!tpu.dma_semaphore, #tpu.memory_space<semaphore_mem>>
      %dma_start3A_80 = arith.constant 0 : i32
      %dma_start3A_81 = tpu.memref_slice %arg10[%mul3A_4, %dma_start3A_80] : memref<10240x128xf32, #tpu.memory_space<vmem_shared>> -> memref<640x128xf32, #tpu.memory_space<vmem_shared>>
      %dma_start3A_82 = arith.constant 0 : i32
      %dma_start3A_83 = tpu.memref_slice %arg5[%mul3A_2, %dma_start3A_82] : memref<10240x128xf32, #tpu.memory_space<hbm>> -> memref<640x128xf32, #tpu.memory_space<hbm>>
      tpu.enqueue_dma source(%dma_start3A_83 : memref<640x128xf32, #tpu.memory_space<hbm>>) target(%dma_start3A_81 : memref<640x128xf32, #tpu.memory_space<vmem_shared>>) target_semaphore(%run_scoped3A : memref<!tpu.dma_semaphore, #tpu.memory_space<semaphore_mem>>)
      %dma_wait3A = arith.constant 0 : i32
      %dma_wait3A_84 = tpu.memref_slice %arg10[%mul3A_4, %dma_wait3A] : memref<10240x128xf32, #tpu.memory_space<vmem_shared>> -> memref<640x128xf32, #tpu.memory_space<vmem_shared>>
      %dma_wait3A_85 = arith.constant 0 : i32
      %dma_wait3A_86 = tpu.memref_slice %arg5[%mul3A_2, %dma_wait3A_85] : memref<10240x128xf32, #tpu.memory_space<hbm>> -> memref<640x128xf32, #tpu.memory_space<hbm>>
      tpu.wait_dma2 semaphore(%run_scoped3A : memref<!tpu.dma_semaphore, #tpu.memory_space<semaphore_mem>>) src(%dma_wait3A_86 : memref<640x128xf32, #tpu.memory_space<hbm>>) dst(%dma_wait3A_84 : memref<640x128xf32, #tpu.memory_space<vmem_shared>>)
      tpu.yield
    }) : () -> ()
    %barrier3A = arith.constant 0 : index
    tpu.barrier barrier_id(%barrier3A)
    "tpu.region"() ({
      %run_scoped3A = tpu.sem_alloc : memref<!tpu.dma_semaphore, #tpu.memory_space<semaphore_mem>>
      %dma_start3A_80 = arith.constant 0 : i32
      %dma_start3A_81 = arith.constant 0 : i32
      %dma_start3A_82 = tpu.memref_slice %arg3[%add3A, %dma_start3A_80, %dma_start3A_81] : memref<32x128x80xi32, #tpu.memory_space<hbm>> -> memref<1x64x80xi32, #tpu.memory_space<hbm>>
      %dma_start3A_83 = tpu.memref_squeeze %dma_start3A_82 : memref<1x64x80xi32, #tpu.memory_space<hbm>> -> memref<64x80xi32, #tpu.memory_space<hbm>>
      %dma_start3A_84 = arith.constant 0 : i32
      %dma_start3A_85 = arith.constant 0 : i32
      %dma_start3A_86 = tpu.memref_slice %arg3[%add3A, %dma_start3A_84, %dma_start3A_85] : memref<32x128x80xi32, #tpu.memory_space<hbm>> -> memref<1x64x80xi32, #tpu.memory_space<hbm>>
      %dma_start3A_87 = tpu.memref_squeeze %dma_start3A_86 : memref<1x64x80xi32, #tpu.memory_space<hbm>> -> memref<64x80xi32, #tpu.memory_space<hbm>>
      tpu.enqueue_dma source(%dma_start3A_87 : memref<64x80xi32, #tpu.memory_space<hbm>>) target(%arg7 : memref<64x80xi32, #tpu.memory_space<vmem>>) target_semaphore(%run_scoped3A : memref<!tpu.dma_semaphore, #tpu.memory_space<semaphore_mem>>)
      %dma_wait3A = arith.constant 0 : i32
      %dma_wait3A_88 = arith.constant 0 : i32
      %dma_wait3A_89 = tpu.memref_slice %arg3[%add3A, %dma_wait3A, %dma_wait3A_88] : memref<32x128x80xi32, #tpu.memory_space<hbm>> -> memref<1x64x80xi32, #tpu.memory_space<hbm>>
      %dma_wait3A_90 = tpu.memref_squeeze %dma_wait3A_89 : memref<1x64x80xi32, #tpu.memory_space<hbm>> -> memref<64x80xi32, #tpu.memory_space<hbm>>
      %dma_wait3A_91 = arith.constant 0 : i32
      %dma_wait3A_92 = arith.constant 0 : i32
      %dma_wait3A_93 = tpu.memref_slice %arg3[%add3A, %dma_wait3A_91, %dma_wait3A_92] : memref<32x128x80xi32, #tpu.memory_space<hbm>> -> memref<1x64x80xi32, #tpu.memory_space<hbm>>
      %dma_wait3A_94 = tpu.memref_squeeze %dma_wait3A_93 : memref<1x64x80xi32, #tpu.memory_space<hbm>> -> memref<64x80xi32, #tpu.memory_space<hbm>>
      tpu.wait_dma2 semaphore(%run_scoped3A : memref<!tpu.dma_semaphore, #tpu.memory_space<semaphore_mem>>) src(%dma_wait3A_94 : memref<64x80xi32, #tpu.memory_space<hbm>>) dst(%arg7 : memref<64x80xi32, #tpu.memory_space<vmem>>)
      tpu.yield
    }) : () -> ()
    "tpu.region"() ({
      %run_scoped3A = tpu.sem_alloc : memref<!tpu.dma_semaphore, #tpu.memory_space<semaphore_mem>>
      %dma_start3A_80 = arith.constant 0 : i32
      %dma_start3A_81 = arith.constant 0 : i32
      %dma_start3A_82 = tpu.memref_slice %arg4[%add3A, %dma_start3A_80, %dma_start3A_81] : memref<32x128x80xi32, #tpu.memory_space<hbm>> -> memref<1x64x80xi32, #tpu.memory_space<hbm>>
      %dma_start3A_83 = tpu.memref_squeeze %dma_start3A_82 : memref<1x64x80xi32, #tpu.memory_space<hbm>> -> memref<64x80xi32, #tpu.memory_space<hbm>>
      %dma_start3A_84 = arith.constant 0 : i32
      %dma_start3A_85 = arith.constant 0 : i32
      %dma_start3A_86 = tpu.memref_slice %arg4[%add3A, %dma_start3A_84, %dma_start3A_85] : memref<32x128x80xi32, #tpu.memory_space<hbm>> -> memref<1x64x80xi32, #tpu.memory_space<hbm>>
      %dma_start3A_87 = tpu.memref_squeeze %dma_start3A_86 : memref<1x64x80xi32, #tpu.memory_space<hbm>> -> memref<64x80xi32, #tpu.memory_space<hbm>>
      tpu.enqueue_dma source(%dma_start3A_87 : memref<64x80xi32, #tpu.memory_space<hbm>>) target(%arg8 : memref<64x80xi32, #tpu.memory_space<vmem>>) target_semaphore(%run_scoped3A : memref<!tpu.dma_semaphore, #tpu.memory_space<semaphore_mem>>)
      %dma_wait3A = arith.constant 0 : i32
      %dma_wait3A_88 = arith.constant 0 : i32
      %dma_wait3A_89 = tpu.memref_slice %arg4[%add3A, %dma_wait3A, %dma_wait3A_88] : memref<32x128x80xi32, #tpu.memory_space<hbm>> -> memref<1x64x80xi32, #tpu.memory_space<hbm>>
      %dma_wait3A_90 = tpu.memref_squeeze %dma_wait3A_89 : memref<1x64x80xi32, #tpu.memory_space<hbm>> -> memref<64x80xi32, #tpu.memory_space<hbm>>
      %dma_wait3A_91 = arith.constant 0 : i32
      %dma_wait3A_92 = arith.constant 0 : i32
      %dma_wait3A_93 = tpu.memref_slice %arg4[%add3A, %dma_wait3A_91, %dma_wait3A_92] : memref<32x128x80xi32, #tpu.memory_space<hbm>> -> memref<1x64x80xi32, #tpu.memory_space<hbm>>
      %dma_wait3A_94 = tpu.memref_squeeze %dma_wait3A_93 : memref<1x64x80xi32, #tpu.memory_space<hbm>> -> memref<64x80xi32, #tpu.memory_space<hbm>>
      tpu.wait_dma2 semaphore(%run_scoped3A : memref<!tpu.dma_semaphore, #tpu.memory_space<semaphore_mem>>) src(%dma_wait3A_94 : memref<64x80xi32, #tpu.memory_space<hbm>>) dst(%arg8 : memref<64x80xi32, #tpu.memory_space<vmem>>)
      tpu.yield
    }) : () -> ()
    %dma_start3A = arith.constant 0 : i32
    %dma_start3A_5 = arith.constant 0 : i32
    %dma_start3A_6 = arith.constant 0 : i32
    %dma_start3A_7 = arith.constant 0 : i32
    %dma_start3A_8 = arith.constant 0 : i32
    %dma_start3A_9 = tpu.memref_slice %arg9[%dma_start3A_5, %dma_start3A_7, %dma_start3A_8] : memref<3x80x128xf32, #tpu.memory_space<vmem>> -> memref<1x80x128xf32, #tpu.memory_space<vmem>>
    %dma_start3A_10 = tpu.memref_squeeze %dma_start3A_9 : memref<1x80x128xf32, #tpu.memory_space<vmem>> -> memref<80x128xf32, #tpu.memory_space<vmem>>
    %dma_start3A_11 = arith.constant 0 : i32
    %dma_start3A_12 = tpu.memref_slice %arg7[%dma_start3A, %dma_start3A_11] : memref<64x80xi32, #tpu.memory_space<vmem>> -> memref<1x80xi32, #tpu.memory_space<vmem>>
    %dma_start3A_13 = tpu.memref_squeeze %dma_start3A_12 : memref<1x80xi32, #tpu.memory_space<vmem>> -> memref<80xi32, #tpu.memory_space<vmem>>
    %dma_start3A_14 = arith.constant 0 : i32
    %dma_start3A_15 = arith.constant 0 : i32
    %dma_start3A_16 = tpu.memref_slice %arg2[%dma_start3A_14, %dma_start3A_15] : memref<10240x128xf32, #tpu.memory_space<hbm>> -> memref<10240x128xf32, #tpu.memory_space<hbm>>
    %dma_start3A_17 = tpu.memref_slice %arg11[%dma_start3A_6] : memref<3x!tpu.dma_semaphore, #tpu.memory_space<semaphore_mem>> -> memref<1x!tpu.dma_semaphore, #tpu.memory_space<semaphore_mem>>
    %dma_start3A_18 = tpu.memref_squeeze %dma_start3A_17 : memref<1x!tpu.dma_semaphore, #tpu.memory_space<semaphore_mem>> -> memref<!tpu.dma_semaphore, #tpu.memory_space<semaphore_mem>>
    tpu.enqueue_indirect_dma source(%dma_start3A_16 : memref<10240x128xf32, #tpu.memory_space<hbm>>) target(%dma_start3A_10 : memref<80x128xf32, #tpu.memory_space<vmem>>) offsets(%dma_start3A_13 : memref<80xi32, #tpu.memory_space<vmem>>) semaphore(%dma_start3A_18 : memref<!tpu.dma_semaphore, #tpu.memory_space<semaphore_mem>>)
    %dma_start3A_19 = arith.constant 1 : i32
    %dma_start3A_20 = arith.constant 1 : i32
    %dma_start3A_21 = arith.constant 1 : i32
    %dma_start3A_22 = arith.constant 0 : i32
    %dma_start3A_23 = arith.constant 0 : i32
    %dma_start3A_24 = tpu.memref_slice %arg9[%dma_start3A_20, %dma_start3A_22, %dma_start3A_23] : memref<3x80x128xf32, #tpu.memory_space<vmem>> -> memref<1x80x128xf32, #tpu.memory_space<vmem>>
    %dma_start3A_25 = tpu.memref_squeeze %dma_start3A_24 : memref<1x80x128xf32, #tpu.memory_space<vmem>> -> memref<80x128xf32, #tpu.memory_space<vmem>>
    %dma_start3A_26 = arith.constant 0 : i32
    %dma_start3A_27 = tpu.memref_slice %arg7[%dma_start3A_19, %dma_start3A_26] : memref<64x80xi32, #tpu.memory_space<vmem>> -> memref<1x80xi32, #tpu.memory_space<vmem>>
    %dma_start3A_28 = tpu.memref_squeeze %dma_start3A_27 : memref<1x80xi32, #tpu.memory_space<vmem>> -> memref<80xi32, #tpu.memory_space<vmem>>
    %dma_start3A_29 = arith.constant 0 : i32
    %dma_start3A_30 = arith.constant 0 : i32
    %dma_start3A_31 = tpu.memref_slice %arg2[%dma_start3A_29, %dma_start3A_30] : memref<10240x128xf32, #tpu.memory_space<hbm>> -> memref<10240x128xf32, #tpu.memory_space<hbm>>
    %dma_start3A_32 = tpu.memref_slice %arg11[%dma_start3A_21] : memref<3x!tpu.dma_semaphore, #tpu.memory_space<semaphore_mem>> -> memref<1x!tpu.dma_semaphore, #tpu.memory_space<semaphore_mem>>
    %dma_start3A_33 = tpu.memref_squeeze %dma_start3A_32 : memref<1x!tpu.dma_semaphore, #tpu.memory_space<semaphore_mem>> -> memref<!tpu.dma_semaphore, #tpu.memory_space<semaphore_mem>>
    tpu.enqueue_indirect_dma source(%dma_start3A_31 : memref<10240x128xf32, #tpu.memory_space<hbm>>) target(%dma_start3A_25 : memref<80x128xf32, #tpu.memory_space<vmem>>) offsets(%dma_start3A_28 : memref<80xi32, #tpu.memory_space<vmem>>) semaphore(%dma_start3A_33 : memref<!tpu.dma_semaphore, #tpu.memory_space<semaphore_mem>>)
    %scan3A = arith.constant 0 : i32
    %scan3A_34 = arith.constant 0 : i32
    %scan3A_35 = arith.constant 64 : i32
    %scan3A_36 = arith.addi %scan3A_34, %scan3A_35 : i32
    %scan3A_37 = arith.constant 1 : i32
    scf.for %scan3A_80 = %scan3A_34 to %scan3A_36 step %scan3A_37  : i32 {
      %jit3A = arith.constant 3 : i32
      %eq3A = arith.constant 0 : i32
      %eq3A_81 = arith.cmpi eq, %jit3A, %eq3A : i32
      %jit3A_82 = arith.constant 1 : i32
      %select_n3A = arith.select %eq3A_81, %jit3A_82, %jit3A : i32
      %rem3A = arith.remsi %scan3A_80, %select_n3A : i32
      %ne3A = arith.constant 0 : i32
      %ne3A_83 = arith.cmpi ne, %rem3A, %ne3A : i32
      %lt3A = arith.constant 0 : i32
      %lt3A_84 = arith.cmpi slt, %rem3A, %lt3A : i32
      %lt3A_85 = arith.constant 0 : i32
      %lt3A_86 = arith.cmpi slt, %select_n3A, %lt3A_85 : i32
      %ne3A_87 = arith.xori %lt3A_84, %lt3A_86 : i1
      %and3A = arith.andi %ne3A_87, %ne3A_83 : i1
      %add3A_88 = arith.addi %rem3A, %select_n3A : i32
      %select_n3A_89 = arith.select %and3A, %add3A_88, %rem3A : i32
      %add3A_90 = arith.constant 2 : i32
      %add3A_91 = arith.addi %scan3A_80, %add3A_90 : i32
      %jit3A_92 = arith.constant 3 : i32
      %eq3A_93 = arith.constant 0 : i32
      %eq3A_94 = arith.cmpi eq, %jit3A_92, %eq3A_93 : i32
      %jit3A_95 = arith.constant 1 : i32
      %select_n3A_96 = arith.select %eq3A_94, %jit3A_95, %jit3A_92 : i32
      %rem3A_97 = arith.remsi %add3A_91, %select_n3A_96 : i32
      %ne3A_98 = arith.constant 0 : i32
      %ne3A_99 = arith.cmpi ne, %rem3A_97, %ne3A_98 : i32
      %lt3A_100 = arith.constant 0 : i32
      %lt3A_101 = arith.cmpi slt, %rem3A_97, %lt3A_100 : i32
      %lt3A_102 = arith.constant 0 : i32
      %lt3A_103 = arith.cmpi slt, %select_n3A_96, %lt3A_102 : i32
      %ne3A_104 = arith.xori %lt3A_101, %lt3A_103 : i1
      %and3A_105 = arith.andi %ne3A_104, %ne3A_99 : i1
      %add3A_106 = arith.addi %rem3A_97, %select_n3A_96 : i32
      %select_n3A_107 = arith.select %and3A_105, %add3A_106, %rem3A_97 : i32
      %lt3A_108 = arith.constant 64 : i32
      %lt3A_109 = arith.cmpi slt, %add3A_91, %lt3A_108 : i32
      %convert_element_type3A = arith.extui %lt3A_109 : i1 to i32
      %cond3A = arith.constant 0 : i32
      %cond3A_110 = arith.cmpi ne, %convert_element_type3A, %cond3A : i32
      scf.if %cond3A_110 {
        %dma_start3A_126 = arith.constant 0 : i32
        %dma_start3A_127 = arith.constant 0 : i32
        %dma_start3A_128 = tpu.memref_slice %arg9[%select_n3A_107, %dma_start3A_126, %dma_start3A_127] : memref<3x80x128xf32, #tpu.memory_space<vmem>> -> memref<1x80x128xf32, #tpu.memory_space<vmem>>
        %dma_start3A_129 = tpu.memref_squeeze %dma_start3A_128 : memref<1x80x128xf32, #tpu.memory_space<vmem>> -> memref<80x128xf32, #tpu.memory_space<vmem>>
        %dma_start3A_130 = arith.constant 0 : i32
        %dma_start3A_131 = tpu.memref_slice %arg7[%add3A_91, %dma_start3A_130] : memref<64x80xi32, #tpu.memory_space<vmem>> -> memref<1x80xi32, #tpu.memory_space<vmem>>
        %dma_start3A_132 = tpu.memref_squeeze %dma_start3A_131 : memref<1x80xi32, #tpu.memory_space<vmem>> -> memref<80xi32, #tpu.memory_space<vmem>>
        %dma_start3A_133 = arith.constant 0 : i32
        %dma_start3A_134 = arith.constant 0 : i32
        %dma_start3A_135 = tpu.memref_slice %arg2[%dma_start3A_133, %dma_start3A_134] : memref<10240x128xf32, #tpu.memory_space<hbm>> -> memref<10240x128xf32, #tpu.memory_space<hbm>>
        %dma_start3A_136 = tpu.memref_slice %arg11[%select_n3A_107] : memref<3x!tpu.dma_semaphore, #tpu.memory_space<semaphore_mem>> -> memref<1x!tpu.dma_semaphore, #tpu.memory_space<semaphore_mem>>
        %dma_start3A_137 = tpu.memref_squeeze %dma_start3A_136 : memref<1x!tpu.dma_semaphore, #tpu.memory_space<semaphore_mem>> -> memref<!tpu.dma_semaphore, #tpu.memory_space<semaphore_mem>>
        tpu.enqueue_indirect_dma source(%dma_start3A_135 : memref<10240x128xf32, #tpu.memory_space<hbm>>) target(%dma_start3A_129 : memref<80x128xf32, #tpu.memory_space<vmem>>) offsets(%dma_start3A_132 : memref<80xi32, #tpu.memory_space<vmem>>) semaphore(%dma_start3A_137 : memref<!tpu.dma_semaphore, #tpu.memory_space<semaphore_mem>>)
      } else {
      }
      %dma_wait3A = arith.constant 0 : i32
      %dma_wait3A_111 = arith.constant 0 : i32
      %dma_wait3A_112 = tpu.memref_slice %arg9[%select_n3A_89, %dma_wait3A, %dma_wait3A_111] : memref<3x80x128xf32, #tpu.memory_space<vmem>> -> memref<1x80x128xf32, #tpu.memory_space<vmem>>
      %dma_wait3A_113 = tpu.memref_squeeze %dma_wait3A_112 : memref<1x80x128xf32, #tpu.memory_space<vmem>> -> memref<80x128xf32, #tpu.memory_space<vmem>>
      %dma_wait3A_114 = arith.constant 0 : i32
      %dma_wait3A_115 = arith.constant 0 : i32
      %dma_wait3A_116 = tpu.memref_slice %arg2[%dma_wait3A_114, %dma_wait3A_115] : memref<10240x128xf32, #tpu.memory_space<hbm>> -> memref<80x128xf32, #tpu.memory_space<hbm>>
      %dma_wait3A_117 = tpu.memref_slice %arg11[%select_n3A_89] : memref<3x!tpu.dma_semaphore, #tpu.memory_space<semaphore_mem>> -> memref<1x!tpu.dma_semaphore, #tpu.memory_space<semaphore_mem>>
      %dma_wait3A_118 = tpu.memref_squeeze %dma_wait3A_117 : memref<1x!tpu.dma_semaphore, #tpu.memory_space<semaphore_mem>> -> memref<!tpu.dma_semaphore, #tpu.memory_space<semaphore_mem>>
      %dma_wait3A_119 = arith.constant 0 : i32
      %dma_wait3A_120 = arith.constant 0 : i32
      %dma_wait3A_121 = tpu.memref_slice %arg9[%select_n3A_89, %dma_wait3A_119, %dma_wait3A_120] : memref<3x80x128xf32, #tpu.memory_space<vmem>> -> memref<1x80x128xf32, #tpu.memory_space<vmem>>
      %dma_wait3A_122 = tpu.memref_squeeze %dma_wait3A_121 : memref<1x80x128xf32, #tpu.memory_space<vmem>> -> memref<80x128xf32, #tpu.memory_space<vmem>>
      %dma_wait3A_123 = arith.constant 0 : i32
      %dma_wait3A_124 = arith.constant 0 : i32
      %dma_wait3A_125 = tpu.memref_slice %arg2[%dma_wait3A_123, %dma_wait3A_124] : memref<10240x128xf32, #tpu.memory_space<hbm>> -> memref<80x128xf32, #tpu.memory_space<hbm>>
      tpu.wait_dma2 semaphore(%dma_wait3A_118 : memref<!tpu.dma_semaphore, #tpu.memory_space<semaphore_mem>>) src(%dma_wait3A_125 : memref<80x128xf32, #tpu.memory_space<hbm>>) dst(%dma_wait3A_122 : memref<80x128xf32, #tpu.memory_space<vmem>>)
      "tpu.region"() ({
        %run_scoped3A = tpu.sem_alloc : memref<!tpu.dma_semaphore, #tpu.memory_space<semaphore_mem>>
        %dma_start3A_126 = arith.constant 0 : i32
        %dma_start3A_127 = arith.constant 0 : i32
        %dma_start3A_128 = tpu.memref_slice %arg9[%select_n3A_89, %dma_start3A_126, %dma_start3A_127] : memref<3x80x128xf32, #tpu.memory_space<vmem>> -> memref<1x80x128xf32, #tpu.memory_space<vmem>>
        %dma_start3A_129 = tpu.memref_squeeze %dma_start3A_128 : memref<1x80x128xf32, #tpu.memory_space<vmem>> -> memref<80x128xf32, #tpu.memory_space<vmem>>
        %dma_start3A_130 = arith.constant 0 : i32
        %dma_start3A_131 = tpu.memref_slice %arg8[%scan3A_80, %dma_start3A_130] : memref<64x80xi32, #tpu.memory_space<vmem>> -> memref<1x80xi32, #tpu.memory_space<vmem>>
        %dma_start3A_132 = tpu.memref_squeeze %dma_start3A_131 : memref<1x80xi32, #tpu.memory_space<vmem>> -> memref<80xi32, #tpu.memory_space<vmem>>
        %dma_start3A_133 = arith.constant 0 : i32
        %dma_start3A_134 = arith.constant 0 : i32
        %dma_start3A_135 = tpu.memref_slice %arg10[%dma_start3A_133, %dma_start3A_134] : memref<10240x128xf32, #tpu.memory_space<vmem_shared>> -> memref<10240x128xf32, #tpu.memory_space<vmem_shared>>
        tpu.enqueue_indirect_dma source(%dma_start3A_129 : memref<80x128xf32, #tpu.memory_space<vmem>>) target(%dma_start3A_135 : memref<10240x128xf32, #tpu.memory_space<vmem_shared>>) offsets(%dma_start3A_132 : memref<80xi32, #tpu.memory_space<vmem>>) semaphore(%run_scoped3A : memref<!tpu.dma_semaphore, #tpu.memory_space<semaphore_mem>>) {add = true}
        %dma_wait3A_136 = arith.constant 0 : i32
        %dma_wait3A_137 = arith.constant 0 : i32
        %dma_wait3A_138 = tpu.memref_slice %arg9[%select_n3A_89, %dma_wait3A_136, %dma_wait3A_137] : memref<3x80x128xf32, #tpu.memory_space<vmem>> -> memref<1x80x128xf32, #tpu.memory_space<vmem>>
        %dma_wait3A_139 = tpu.memref_squeeze %dma_wait3A_138 : memref<1x80x128xf32, #tpu.memory_space<vmem>> -> memref<80x128xf32, #tpu.memory_space<vmem>>
        %dma_wait3A_140 = arith.constant 0 : i32
        %dma_wait3A_141 = tpu.memref_slice %arg8[%scan3A_80, %dma_wait3A_140] : memref<64x80xi32, #tpu.memory_space<vmem>> -> memref<1x80xi32, #tpu.memory_space<vmem>>
        %dma_wait3A_142 = tpu.memref_squeeze %dma_wait3A_141 : memref<1x80xi32, #tpu.memory_space<vmem>> -> memref<80xi32, #tpu.memory_space<vmem>>
        %dma_wait3A_143 = arith.constant 0 : i32
        %dma_wait3A_144 = arith.constant 0 : i32
        %dma_wait3A_145 = tpu.memref_slice %arg10[%dma_wait3A_143, %dma_wait3A_144] : memref<10240x128xf32, #tpu.memory_space<vmem_shared>> -> memref<10240x128xf32, #tpu.memory_space<vmem_shared>>
        tpu.wait_indirect_dma semaphore(%run_scoped3A : memref<!tpu.dma_semaphore, #tpu.memory_space<semaphore_mem>>) src(%dma_wait3A_139 : memref<80x128xf32, #tpu.memory_space<vmem>>) dst(%dma_wait3A_145 : memref<10240x128xf32, #tpu.memory_space<vmem_shared>>)
        tpu.yield
      }) : () -> ()
    }
    %scan3A_38 = arith.constant 64 : i32
    "tpu.region"() ({
      %run_scoped3A = tpu.sem_alloc : memref<!tpu.dma_semaphore, #tpu.memory_space<semaphore_mem>>
      %dma_start3A_80 = arith.constant 64 : i32
      %dma_start3A_81 = arith.constant 0 : i32
      %dma_start3A_82 = tpu.memref_slice %arg3[%add3A, %dma_start3A_80, %dma_start3A_81] : memref<32x128x80xi32, #tpu.memory_space<hbm>> -> memref<1x64x80xi32, #tpu.memory_space<hbm>>
      %dma_start3A_83 = tpu.memref_squeeze %dma_start3A_82 : memref<1x64x80xi32, #tpu.memory_space<hbm>> -> memref<64x80xi32, #tpu.memory_space<hbm>>
      %dma_start3A_84 = arith.constant 64 : i32
      %dma_start3A_85 = arith.constant 0 : i32
      %dma_start3A_86 = tpu.memref_slice %arg3[%add3A, %dma_start3A_84, %dma_start3A_85] : memref<32x128x80xi32, #tpu.memory_space<hbm>> -> memref<1x64x80xi32, #tpu.memory_space<hbm>>
      %dma_start3A_87 = tpu.memref_squeeze %dma_start3A_86 : memref<1x64x80xi32, #tpu.memory_space<hbm>> -> memref<64x80xi32, #tpu.memory_space<hbm>>
      tpu.enqueue_dma source(%dma_start3A_87 : memref<64x80xi32, #tpu.memory_space<hbm>>) target(%arg7 : memref<64x80xi32, #tpu.memory_space<vmem>>) target_semaphore(%run_scoped3A : memref<!tpu.dma_semaphore, #tpu.memory_space<semaphore_mem>>)
      %dma_wait3A = arith.constant 64 : i32
      %dma_wait3A_88 = arith.constant 0 : i32
      %dma_wait3A_89 = tpu.memref_slice %arg3[%add3A, %dma_wait3A, %dma_wait3A_88] : memref<32x128x80xi32, #tpu.memory_space<hbm>> -> memref<1x64x80xi32, #tpu.memory_space<hbm>>
      %dma_wait3A_90 = tpu.memref_squeeze %dma_wait3A_89 : memref<1x64x80xi32, #tpu.memory_space<hbm>> -> memref<64x80xi32, #tpu.memory_space<hbm>>
      %dma_wait3A_91 = arith.constant 64 : i32
      %dma_wait3A_92 = arith.constant 0 : i32
      %dma_wait3A_93 = tpu.memref_slice %arg3[%add3A, %dma_wait3A_91, %dma_wait3A_92] : memref<32x128x80xi32, #tpu.memory_space<hbm>> -> memref<1x64x80xi32, #tpu.memory_space<hbm>>
      %dma_wait3A_94 = tpu.memref_squeeze %dma_wait3A_93 : memref<1x64x80xi32, #tpu.memory_space<hbm>> -> memref<64x80xi32, #tpu.memory_space<hbm>>
      tpu.wait_dma2 semaphore(%run_scoped3A : memref<!tpu.dma_semaphore, #tpu.memory_space<semaphore_mem>>) src(%dma_wait3A_94 : memref<64x80xi32, #tpu.memory_space<hbm>>) dst(%arg7 : memref<64x80xi32, #tpu.memory_space<vmem>>)
      tpu.yield
    }) : () -> ()
    "tpu.region"() ({
      %run_scoped3A = tpu.sem_alloc : memref<!tpu.dma_semaphore, #tpu.memory_space<semaphore_mem>>
      %dma_start3A_80 = arith.constant 64 : i32
      %dma_start3A_81 = arith.constant 0 : i32
      %dma_start3A_82 = tpu.memref_slice %arg4[%add3A, %dma_start3A_80, %dma_start3A_81] : memref<32x128x80xi32, #tpu.memory_space<hbm>> -> memref<1x64x80xi32, #tpu.memory_space<hbm>>
      %dma_start3A_83 = tpu.memref_squeeze %dma_start3A_82 : memref<1x64x80xi32, #tpu.memory_space<hbm>> -> memref<64x80xi32, #tpu.memory_space<hbm>>
      %dma_start3A_84 = arith.constant 64 : i32
      %dma_start3A_85 = arith.constant 0 : i32
      %dma_start3A_86 = tpu.memref_slice %arg4[%add3A, %dma_start3A_84, %dma_start3A_85] : memref<32x128x80xi32, #tpu.memory_space<hbm>> -> memref<1x64x80xi32, #tpu.memory_space<hbm>>
      %dma_start3A_87 = tpu.memref_squeeze %dma_start3A_86 : memref<1x64x80xi32, #tpu.memory_space<hbm>> -> memref<64x80xi32, #tpu.memory_space<hbm>>
      tpu.enqueue_dma source(%dma_start3A_87 : memref<64x80xi32, #tpu.memory_space<hbm>>) target(%arg8 : memref<64x80xi32, #tpu.memory_space<vmem>>) target_semaphore(%run_scoped3A : memref<!tpu.dma_semaphore, #tpu.memory_space<semaphore_mem>>)
      %dma_wait3A = arith.constant 64 : i32
      %dma_wait3A_88 = arith.constant 0 : i32
      %dma_wait3A_89 = tpu.memref_slice %arg4[%add3A, %dma_wait3A, %dma_wait3A_88] : memref<32x128x80xi32, #tpu.memory_space<hbm>> -> memref<1x64x80xi32, #tpu.memory_space<hbm>>
      %dma_wait3A_90 = tpu.memref_squeeze %dma_wait3A_89 : memref<1x64x80xi32, #tpu.memory_space<hbm>> -> memref<64x80xi32, #tpu.memory_space<hbm>>
      %dma_wait3A_91 = arith.constant 64 : i32
      %dma_wait3A_92 = arith.constant 0 : i32
      %dma_wait3A_93 = tpu.memref_slice %arg4[%add3A, %dma_wait3A_91, %dma_wait3A_92] : memref<32x128x80xi32, #tpu.memory_space<hbm>> -> memref<1x64x80xi32, #tpu.memory_space<hbm>>
      %dma_wait3A_94 = tpu.memref_squeeze %dma_wait3A_93 : memref<1x64x80xi32, #tpu.memory_space<hbm>> -> memref<64x80xi32, #tpu.memory_space<hbm>>
      tpu.wait_dma2 semaphore(%run_scoped3A : memref<!tpu.dma_semaphore, #tpu.memory_space<semaphore_mem>>) src(%dma_wait3A_94 : memref<64x80xi32, #tpu.memory_space<hbm>>) dst(%arg8 : memref<64x80xi32, #tpu.memory_space<vmem>>)
      tpu.yield
    }) : () -> ()
    %dma_start3A_39 = arith.constant 0 : i32
    %dma_start3A_40 = arith.constant 0 : i32
    %dma_start3A_41 = arith.constant 0 : i32
    %dma_start3A_42 = arith.constant 0 : i32
    %dma_start3A_43 = arith.constant 0 : i32
    %dma_start3A_44 = tpu.memref_slice %arg9[%dma_start3A_40, %dma_start3A_42, %dma_start3A_43] : memref<3x80x128xf32, #tpu.memory_space<vmem>> -> memref<1x80x128xf32, #tpu.memory_space<vmem>>
    %dma_start3A_45 = tpu.memref_squeeze %dma_start3A_44 : memref<1x80x128xf32, #tpu.memory_space<vmem>> -> memref<80x128xf32, #tpu.memory_space<vmem>>
    %dma_start3A_46 = arith.constant 0 : i32
    %dma_start3A_47 = tpu.memref_slice %arg7[%dma_start3A_39, %dma_start3A_46] : memref<64x80xi32, #tpu.memory_space<vmem>> -> memref<1x80xi32, #tpu.memory_space<vmem>>
    %dma_start3A_48 = tpu.memref_squeeze %dma_start3A_47 : memref<1x80xi32, #tpu.memory_space<vmem>> -> memref<80xi32, #tpu.memory_space<vmem>>
    %dma_start3A_49 = arith.constant 0 : i32
    %dma_start3A_50 = arith.constant 0 : i32
    %dma_start3A_51 = tpu.memref_slice %arg2[%dma_start3A_49, %dma_start3A_50] : memref<10240x128xf32, #tpu.memory_space<hbm>> -> memref<10240x128xf32, #tpu.memory_space<hbm>>
    %dma_start3A_52 = tpu.memref_slice %arg11[%dma_start3A_41] : memref<3x!tpu.dma_semaphore, #tpu.memory_space<semaphore_mem>> -> memref<1x!tpu.dma_semaphore, #tpu.memory_space<semaphore_mem>>
    %dma_start3A_53 = tpu.memref_squeeze %dma_start3A_52 : memref<1x!tpu.dma_semaphore, #tpu.memory_space<semaphore_mem>> -> memref<!tpu.dma_semaphore, #tpu.memory_space<semaphore_mem>>
    tpu.enqueue_indirect_dma source(%dma_start3A_51 : memref<10240x128xf32, #tpu.memory_space<hbm>>) target(%dma_start3A_45 : memref<80x128xf32, #tpu.memory_space<vmem>>) offsets(%dma_start3A_48 : memref<80xi32, #tpu.memory_space<vmem>>) semaphore(%dma_start3A_53 : memref<!tpu.dma_semaphore, #tpu.memory_space<semaphore_mem>>)
    %dma_start3A_54 = arith.constant 1 : i32
    %dma_start3A_55 = arith.constant 1 : i32
    %dma_start3A_56 = arith.constant 1 : i32
    %dma_start3A_57 = arith.constant 0 : i32
    %dma_start3A_58 = arith.constant 0 : i32
    %dma_start3A_59 = tpu.memref_slice %arg9[%dma_start3A_55, %dma_start3A_57, %dma_start3A_58] : memref<3x80x128xf32, #tpu.memory_space<vmem>> -> memref<1x80x128xf32, #tpu.memory_space<vmem>>
    %dma_start3A_60 = tpu.memref_squeeze %dma_start3A_59 : memref<1x80x128xf32, #tpu.memory_space<vmem>> -> memref<80x128xf32, #tpu.memory_space<vmem>>
    %dma_start3A_61 = arith.constant 0 : i32
    %dma_start3A_62 = tpu.memref_slice %arg7[%dma_start3A_54, %dma_start3A_61] : memref<64x80xi32, #tpu.memory_space<vmem>> -> memref<1x80xi32, #tpu.memory_space<vmem>>
    %dma_start3A_63 = tpu.memref_squeeze %dma_start3A_62 : memref<1x80xi32, #tpu.memory_space<vmem>> -> memref<80xi32, #tpu.memory_space<vmem>>
    %dma_start3A_64 = arith.constant 0 : i32
    %dma_start3A_65 = arith.constant 0 : i32
    %dma_start3A_66 = tpu.memref_slice %arg2[%dma_start3A_64, %dma_start3A_65] : memref<10240x128xf32, #tpu.memory_space<hbm>> -> memref<10240x128xf32, #tpu.memory_space<hbm>>
    %dma_start3A_67 = tpu.memref_slice %arg11[%dma_start3A_56] : memref<3x!tpu.dma_semaphore, #tpu.memory_space<semaphore_mem>> -> memref<1x!tpu.dma_semaphore, #tpu.memory_space<semaphore_mem>>
    %dma_start3A_68 = tpu.memref_squeeze %dma_start3A_67 : memref<1x!tpu.dma_semaphore, #tpu.memory_space<semaphore_mem>> -> memref<!tpu.dma_semaphore, #tpu.memory_space<semaphore_mem>>
    tpu.enqueue_indirect_dma source(%dma_start3A_66 : memref<10240x128xf32, #tpu.memory_space<hbm>>) target(%dma_start3A_60 : memref<80x128xf32, #tpu.memory_space<vmem>>) offsets(%dma_start3A_63 : memref<80xi32, #tpu.memory_space<vmem>>) semaphore(%dma_start3A_68 : memref<!tpu.dma_semaphore, #tpu.memory_space<semaphore_mem>>)
    %scan3A_69 = arith.constant 0 : i32
    %scan3A_70 = arith.constant 0 : i32
    %scan3A_71 = arith.constant 64 : i32
    %scan3A_72 = arith.addi %scan3A_70, %scan3A_71 : i32
    %scan3A_73 = arith.constant 1 : i32
    scf.for %scan3A_80 = %scan3A_70 to %scan3A_72 step %scan3A_73  : i32 {
      %jit3A = arith.constant 3 : i32
      %eq3A = arith.constant 0 : i32
      %eq3A_81 = arith.cmpi eq, %jit3A, %eq3A : i32
      %jit3A_82 = arith.constant 1 : i32
      %select_n3A = arith.select %eq3A_81, %jit3A_82, %jit3A : i32
      %rem3A = arith.remsi %scan3A_80, %select_n3A : i32
      %ne3A = arith.constant 0 : i32
      %ne3A_83 = arith.cmpi ne, %rem3A, %ne3A : i32
      %lt3A = arith.constant 0 : i32
      %lt3A_84 = arith.cmpi slt, %rem3A, %lt3A : i32
      %lt3A_85 = arith.constant 0 : i32
      %lt3A_86 = arith.cmpi slt, %select_n3A, %lt3A_85 : i32
      %ne3A_87 = arith.xori %lt3A_84, %lt3A_86 : i1
      %and3A = arith.andi %ne3A_87, %ne3A_83 : i1
      %add3A_88 = arith.addi %rem3A, %select_n3A : i32
      %select_n3A_89 = arith.select %and3A, %add3A_88, %rem3A : i32
      %add3A_90 = arith.constant 2 : i32
      %add3A_91 = arith.addi %scan3A_80, %add3A_90 : i32
      %jit3A_92 = arith.constant 3 : i32
      %eq3A_93 = arith.constant 0 : i32
      %eq3A_94 = arith.cmpi eq, %jit3A_92, %eq3A_93 : i32
      %jit3A_95 = arith.constant 1 : i32
      %select_n3A_96 = arith.select %eq3A_94, %jit3A_95, %jit3A_92 : i32
      %rem3A_97 = arith.remsi %add3A_91, %select_n3A_96 : i32
      %ne3A_98 = arith.constant 0 : i32
      %ne3A_99 = arith.cmpi ne, %rem3A_97, %ne3A_98 : i32
      %lt3A_100 = arith.constant 0 : i32
      %lt3A_101 = arith.cmpi slt, %rem3A_97, %lt3A_100 : i32
      %lt3A_102 = arith.constant 0 : i32
      %lt3A_103 = arith.cmpi slt, %select_n3A_96, %lt3A_102 : i32
      %ne3A_104 = arith.xori %lt3A_101, %lt3A_103 : i1
      %and3A_105 = arith.andi %ne3A_104, %ne3A_99 : i1
      %add3A_106 = arith.addi %rem3A_97, %select_n3A_96 : i32
      %select_n3A_107 = arith.select %and3A_105, %add3A_106, %rem3A_97 : i32
      %lt3A_108 = arith.constant 64 : i32
      %lt3A_109 = arith.cmpi slt, %add3A_91, %lt3A_108 : i32
      %convert_element_type3A = arith.extui %lt3A_109 : i1 to i32
      %cond3A = arith.constant 0 : i32
      %cond3A_110 = arith.cmpi ne, %convert_element_type3A, %cond3A : i32
      scf.if %cond3A_110 {
        %dma_start3A_126 = arith.constant 0 : i32
        %dma_start3A_127 = arith.constant 0 : i32
        %dma_start3A_128 = tpu.memref_slice %arg9[%select_n3A_107, %dma_start3A_126, %dma_start3A_127] : memref<3x80x128xf32, #tpu.memory_space<vmem>> -> memref<1x80x128xf32, #tpu.memory_space<vmem>>
        %dma_start3A_129 = tpu.memref_squeeze %dma_start3A_128 : memref<1x80x128xf32, #tpu.memory_space<vmem>> -> memref<80x128xf32, #tpu.memory_space<vmem>>
        %dma_start3A_130 = arith.constant 0 : i32
        %dma_start3A_131 = tpu.memref_slice %arg7[%add3A_91, %dma_start3A_130] : memref<64x80xi32, #tpu.memory_space<vmem>> -> memref<1x80xi32, #tpu.memory_space<vmem>>
        %dma_start3A_132 = tpu.memref_squeeze %dma_start3A_131 : memref<1x80xi32, #tpu.memory_space<vmem>> -> memref<80xi32, #tpu.memory_space<vmem>>
        %dma_start3A_133 = arith.constant 0 : i32
        %dma_start3A_134 = arith.constant 0 : i32
        %dma_start3A_135 = tpu.memref_slice %arg2[%dma_start3A_133, %dma_start3A_134] : memref<10240x128xf32, #tpu.memory_space<hbm>> -> memref<10240x128xf32, #tpu.memory_space<hbm>>
        %dma_start3A_136 = tpu.memref_slice %arg11[%select_n3A_107] : memref<3x!tpu.dma_semaphore, #tpu.memory_space<semaphore_mem>> -> memref<1x!tpu.dma_semaphore, #tpu.memory_space<semaphore_mem>>
        %dma_start3A_137 = tpu.memref_squeeze %dma_start3A_136 : memref<1x!tpu.dma_semaphore, #tpu.memory_space<semaphore_mem>> -> memref<!tpu.dma_semaphore, #tpu.memory_space<semaphore_mem>>
        tpu.enqueue_indirect_dma source(%dma_start3A_135 : memref<10240x128xf32, #tpu.memory_space<hbm>>) target(%dma_start3A_129 : memref<80x128xf32, #tpu.memory_space<vmem>>) offsets(%dma_start3A_132 : memref<80xi32, #tpu.memory_space<vmem>>) semaphore(%dma_start3A_137 : memref<!tpu.dma_semaphore, #tpu.memory_space<semaphore_mem>>)
      } else {
      }
      %dma_wait3A = arith.constant 0 : i32
      %dma_wait3A_111 = arith.constant 0 : i32
      %dma_wait3A_112 = tpu.memref_slice %arg9[%select_n3A_89, %dma_wait3A, %dma_wait3A_111] : memref<3x80x128xf32, #tpu.memory_space<vmem>> -> memref<1x80x128xf32, #tpu.memory_space<vmem>>
      %dma_wait3A_113 = tpu.memref_squeeze %dma_wait3A_112 : memref<1x80x128xf32, #tpu.memory_space<vmem>> -> memref<80x128xf32, #tpu.memory_space<vmem>>
      %dma_wait3A_114 = arith.constant 0 : i32
      %dma_wait3A_115 = arith.constant 0 : i32
      %dma_wait3A_116 = tpu.memref_slice %arg2[%dma_wait3A_114, %dma_wait3A_115] : memref<10240x128xf32, #tpu.memory_space<hbm>> -> memref<80x128xf32, #tpu.memory_space<hbm>>
      %dma_wait3A_117 = tpu.memref_slice %arg11[%select_n3A_89] : memref<3x!tpu.dma_semaphore, #tpu.memory_space<semaphore_mem>> -> memref<1x!tpu.dma_semaphore, #tpu.memory_space<semaphore_mem>>
      %dma_wait3A_118 = tpu.memref_squeeze %dma_wait3A_117 : memref<1x!tpu.dma_semaphore, #tpu.memory_space<semaphore_mem>> -> memref<!tpu.dma_semaphore, #tpu.memory_space<semaphore_mem>>
      %dma_wait3A_119 = arith.constant 0 : i32
      %dma_wait3A_120 = arith.constant 0 : i32
      %dma_wait3A_121 = tpu.memref_slice %arg9[%select_n3A_89, %dma_wait3A_119, %dma_wait3A_120] : memref<3x80x128xf32, #tpu.memory_space<vmem>> -> memref<1x80x128xf32, #tpu.memory_space<vmem>>
      %dma_wait3A_122 = tpu.memref_squeeze %dma_wait3A_121 : memref<1x80x128xf32, #tpu.memory_space<vmem>> -> memref<80x128xf32, #tpu.memory_space<vmem>>
      %dma_wait3A_123 = arith.constant 0 : i32
      %dma_wait3A_124 = arith.constant 0 : i32
      %dma_wait3A_125 = tpu.memref_slice %arg2[%dma_wait3A_123, %dma_wait3A_124] : memref<10240x128xf32, #tpu.memory_space<hbm>> -> memref<80x128xf32, #tpu.memory_space<hbm>>
      tpu.wait_dma2 semaphore(%dma_wait3A_118 : memref<!tpu.dma_semaphore, #tpu.memory_space<semaphore_mem>>) src(%dma_wait3A_125 : memref<80x128xf32, #tpu.memory_space<hbm>>) dst(%dma_wait3A_122 : memref<80x128xf32, #tpu.memory_space<vmem>>)
      "tpu.region"() ({
        %run_scoped3A = tpu.sem_alloc : memref<!tpu.dma_semaphore, #tpu.memory_space<semaphore_mem>>
        %dma_start3A_126 = arith.constant 0 : i32
        %dma_start3A_127 = arith.constant 0 : i32
        %dma_start3A_128 = tpu.memref_slice %arg9[%select_n3A_89, %dma_start3A_126, %dma_start3A_127] : memref<3x80x128xf32, #tpu.memory_space<vmem>> -> memref<1x80x128xf32, #tpu.memory_space<vmem>>
        %dma_start3A_129 = tpu.memref_squeeze %dma_start3A_128 : memref<1x80x128xf32, #tpu.memory_space<vmem>> -> memref<80x128xf32, #tpu.memory_space<vmem>>
        %dma_start3A_130 = arith.constant 0 : i32
        %dma_start3A_131 = tpu.memref_slice %arg8[%scan3A_80, %dma_start3A_130] : memref<64x80xi32, #tpu.memory_space<vmem>> -> memref<1x80xi32, #tpu.memory_space<vmem>>
        %dma_start3A_132 = tpu.memref_squeeze %dma_start3A_131 : memref<1x80xi32, #tpu.memory_space<vmem>> -> memref<80xi32, #tpu.memory_space<vmem>>
        %dma_start3A_133 = arith.constant 0 : i32
        %dma_start3A_134 = arith.constant 0 : i32
        %dma_start3A_135 = tpu.memref_slice %arg10[%dma_start3A_133, %dma_start3A_134] : memref<10240x128xf32, #tpu.memory_space<vmem_shared>> -> memref<10240x128xf32, #tpu.memory_space<vmem_shared>>
        tpu.enqueue_indirect_dma source(%dma_start3A_129 : memref<80x128xf32, #tpu.memory_space<vmem>>) target(%dma_start3A_135 : memref<10240x128xf32, #tpu.memory_space<vmem_shared>>) offsets(%dma_start3A_132 : memref<80xi32, #tpu.memory_space<vmem>>) semaphore(%run_scoped3A : memref<!tpu.dma_semaphore, #tpu.memory_space<semaphore_mem>>) {add = true}
        %dma_wait3A_136 = arith.constant 0 : i32
        %dma_wait3A_137 = arith.constant 0 : i32
        %dma_wait3A_138 = tpu.memref_slice %arg9[%select_n3A_89, %dma_wait3A_136, %dma_wait3A_137] : memref<3x80x128xf32, #tpu.memory_space<vmem>> -> memref<1x80x128xf32, #tpu.memory_space<vmem>>
        %dma_wait3A_139 = tpu.memref_squeeze %dma_wait3A_138 : memref<1x80x128xf32, #tpu.memory_space<vmem>> -> memref<80x128xf32, #tpu.memory_space<vmem>>
        %dma_wait3A_140 = arith.constant 0 : i32
        %dma_wait3A_141 = tpu.memref_slice %arg8[%scan3A_80, %dma_wait3A_140] : memref<64x80xi32, #tpu.memory_space<vmem>> -> memref<1x80xi32, #tpu.memory_space<vmem>>
        %dma_wait3A_142 = tpu.memref_squeeze %dma_wait3A_141 : memref<1x80xi32, #tpu.memory_space<vmem>> -> memref<80xi32, #tpu.memory_space<vmem>>
        %dma_wait3A_143 = arith.constant 0 : i32
        %dma_wait3A_144 = arith.constant 0 : i32
        %dma_wait3A_145 = tpu.memref_slice %arg10[%dma_wait3A_143, %dma_wait3A_144] : memref<10240x128xf32, #tpu.memory_space<vmem_shared>> -> memref<10240x128xf32, #tpu.memory_space<vmem_shared>>
        tpu.wait_indirect_dma semaphore(%run_scoped3A : memref<!tpu.dma_semaphore, #tpu.memory_space<semaphore_mem>>) src(%dma_wait3A_139 : memref<80x128xf32, #tpu.memory_space<vmem>>) dst(%dma_wait3A_145 : memref<10240x128xf32, #tpu.memory_space<vmem_shared>>)
        tpu.yield
      }) : () -> ()
    }
    %scan3A_74 = arith.constant 64 : i32
    %barrier3A_75 = arith.constant 0 : index
    tpu.barrier barrier_id(%barrier3A_75)
    %mul3A_76 = arith.constant 640 : i32
    %mul3A_77 = arith.muli %arg1, %mul3A_76 : i32
    %mul3A_78 = arith.constant 640 : i32
    %mul3A_79 = arith.muli %arg1, %mul3A_78 : i32
    "tpu.region"() ({
      %run_scoped3A = tpu.sem_alloc : memref<!tpu.dma_semaphore, #tpu.memory_space<semaphore_mem>>
      %dma_start3A_80 = arith.constant 0 : i32
      %dma_start3A_81 = tpu.memref_slice %arg6[%arg0, %mul3A_79, %dma_start3A_80] : memref<2x10240x128xf32, #tpu.memory_space<hbm>> -> memref<1x640x128xf32, #tpu.memory_space<hbm>>
      %dma_start3A_82 = tpu.memref_squeeze %dma_start3A_81 : memref<1x640x128xf32, #tpu.memory_space<hbm>> -> memref<640x128xf32, #tpu.memory_space<hbm>>
      %dma_start3A_83 = arith.constant 0 : i32
      %dma_start3A_84 = tpu.memref_slice %arg10[%mul3A_77, %dma_start3A_83] : memref<10240x128xf32, #tpu.memory_space<vmem_shared>> -> memref<640x128xf32, #tpu.memory_space<vmem_shared>>
      tpu.enqueue_dma source(%dma_start3A_84 : memref<640x128xf32, #tpu.memory_space<vmem_shared>>) target(%dma_start3A_82 : memref<640x128xf32, #tpu.memory_space<hbm>>) target_semaphore(%run_scoped3A : memref<!tpu.dma_semaphore, #tpu.memory_space<semaphore_mem>>)
      %dma_wait3A = arith.constant 0 : i32
      %dma_wait3A_85 = tpu.memref_slice %arg6[%arg0, %mul3A_79, %dma_wait3A] : memref<2x10240x128xf32, #tpu.memory_space<hbm>> -> memref<1x640x128xf32, #tpu.memory_space<hbm>>
      %dma_wait3A_86 = tpu.memref_squeeze %dma_wait3A_85 : memref<1x640x128xf32, #tpu.memory_space<hbm>> -> memref<640x128xf32, #tpu.memory_space<hbm>>
      %dma_wait3A_87 = arith.constant 0 : i32
      %dma_wait3A_88 = tpu.memref_slice %arg10[%mul3A_77, %dma_wait3A_87] : memref<10240x128xf32, #tpu.memory_space<vmem_shared>> -> memref<640x128xf32, #tpu.memory_space<vmem_shared>>
      tpu.wait_dma2 semaphore(%run_scoped3A : memref<!tpu.dma_semaphore, #tpu.memory_space<semaphore_mem>>) src(%dma_wait3A_88 : memref<640x128xf32, #tpu.memory_space<vmem_shared>>) dst(%dma_wait3A_86 : memref<640x128xf32, #tpu.memory_space<hbm>>)
      tpu.yield
    }) : () -> ()
    return
  }
}

module attributes {stable_mosaic.version = 14 : i64} {
  func.func @_mms_body(%arg0: i32, %arg1: memref<2x1024x128xf32, #tpu.memory_space<vmem>>, %arg2: memref<1024x128xf32, #tpu.memory_space<vmem>>, %arg3: memref<128x128xf32, #tpu.memory_space<vmem>>, %arg4: memref<1024x128xf32, #tpu.memory_space<vmem>>) attributes {dimension_semantics = [#tpu.dimension_semantics<arbitrary>], iteration_bounds = array<i64: 10>, scalar_prefetch = 0 : i64, scratch_operands = 0 : i64, tpu.core_type = #tpu.core_type<tc>, window_params = [{transform_indices = @transform_0, window_bounds = array<i64: 2, 1024, 128>}, {transform_indices = @transform_1, window_bounds = array<i64: 1024, 128>}, {pipeline_mode = #tpu.pipeline_mode<synchronous>, transform_indices = @transform_2, window_bounds = array<i64: 128, 128>}, {transform_indices = @transform_3, window_bounds = array<i64: 1024, 128>}]} {
    %get3A = arith.constant 0 : index
    %get3A_0 = arith.constant 0 : index
    %get3A_1 = vector.load %arg2[%get3A, %get3A_0] : memref<1024x128xf32, #tpu.memory_space<vmem>>, vector<1024x128xf32>
    %get3A_2 = arith.constant 0 : index
    %get3A_3 = arith.constant 0 : index
    %get3A_4 = vector.load %arg3[%get3A_2, %get3A_3] : memref<128x128xf32, #tpu.memory_space<vmem>>, vector<128x128xf32>
    %dot_general3A = arith.constant dense<0.000000e+00> : vector<1024x128xf32>
    %dot_general3A_5 = tpu.matmul %get3A_1, %get3A_4, %dot_general3A {dimension_numbers = #tpu.dot_dimension_numbers<[1], [0], [0], [1], [0, 0, 1, 1], [], []>, transpose_lhs_hint = false} : vector<1024x128xf32>, vector<128x128xf32>, vector<1024x128xf32> -> vector<1024x128xf32>
    %get3A_6 = arith.constant 0 : index
    %get3A_7 = arith.constant 0 : index
    %get3A_8 = arith.constant 0 : index
    %get3A_9 = vector.load %arg1[%get3A_6, %get3A_7, %get3A_8] : memref<2x1024x128xf32, #tpu.memory_space<vmem>>, vector<1x1024x128xf32>
    %get3A_10 = vector.shape_cast %get3A_9 : vector<1x1024x128xf32> to vector<1024x128xf32>
    %get3A_11 = arith.constant 1 : index
    %get3A_12 = arith.constant 0 : index
    %get3A_13 = arith.constant 0 : index
    %get3A_14 = vector.load %arg1[%get3A_11, %get3A_12, %get3A_13] : memref<2x1024x128xf32, #tpu.memory_space<vmem>>, vector<1x1024x128xf32>
    %get3A_15 = vector.shape_cast %get3A_14 : vector<1x1024x128xf32> to vector<1024x128xf32>
    %add3A = arith.addf %get3A_10, %get3A_15 : vector<1024x128xf32>
    %add3A_16 = arith.constant 1.000000e+00 : f32
    %add3A_17 = vector.broadcast %add3A_16 : f32 to vector<1024x128xf32>
    %add3A_18 = arith.addf %add3A, %add3A_17 : vector<1024x128xf32>
    %rsqrt3A = math.rsqrt %add3A_18 : vector<1024x128xf32>
    %mul3A = arith.mulf %dot_general3A_5, %rsqrt3A : vector<1024x128xf32>
    %swap3A = arith.constant 0 : index
    %swap3A_19 = arith.constant 0 : index
    %swap3A_20 = vector.load %arg4[%swap3A, %swap3A_19] : memref<1024x128xf32, #tpu.memory_space<vmem>>, vector<1024x128xf32>
    tpu.vector_store %arg4[%swap3A, %swap3A_19], %mul3A {strides = array<i32>} : memref<1024x128xf32, #tpu.memory_space<vmem>>, vector<1024x128xf32>,
    return
  }
  func.func @transform_0(%arg0: i32) -> (i32, i32, i32) {
    %c0_i32 = arith.constant 0 : i32
    %c0_i32_0 = arith.constant 0 : i32
    %c0_i32_1 = arith.constant 0 : i32
    return %c0_i32, %arg0, %c0_i32_0 : i32, i32, i32
  }
  func.func @transform_1(%arg0: i32) -> (i32, i32) {
    %c0_i32 = arith.constant 0 : i32
    %c0_i32_0 = arith.constant 0 : i32
    return %arg0, %c0_i32 : i32, i32
  }
  func.func @transform_2(%arg0: i32) -> (i32, i32) {
    %c0_i32 = arith.constant 0 : i32
    %c0_i32_0 = arith.constant 0 : i32
    %c0_i32_1 = arith.constant 0 : i32
    return %c0_i32, %c0_i32_0 : i32, i32
  }
  func.func @transform_3(%arg0: i32) -> (i32, i32) {
    %c0_i32 = arith.constant 0 : i32
    %c0_i32_0 = arith.constant 0 : i32
    return %arg0, %c0_i32 : i32, i32
  }
}

module attributes {stable_mosaic.version = 14 : i64} {
  func.func @_mid_body(%arg0: i32, %arg1: memref<2x1024x128xf32, #tpu.memory_space<vmem>>, %arg2: memref<2x1024x128xf32, #tpu.memory_space<vmem>>, %arg3: memref<1024x128xf32, #tpu.memory_space<vmem>>, %arg4: memref<1x128xf32, #tpu.memory_space<vmem>>, %arg5: memref<128x128xf32, #tpu.memory_space<vmem>>, %arg6: memref<1024x128xf32, #tpu.memory_space<vmem>>) attributes {dimension_semantics = [#tpu.dimension_semantics<arbitrary>], iteration_bounds = array<i64: 10>, scalar_prefetch = 0 : i64, scratch_operands = 0 : i64, tpu.core_type = #tpu.core_type<tc>, window_params = [{transform_indices = @transform_0, window_bounds = array<i64: 2, 1024, 128>}, {transform_indices = @transform_1, window_bounds = array<i64: 2, 1024, 128>}, {transform_indices = @transform_2, window_bounds = array<i64: 1024, 128>}, {pipeline_mode = #tpu.pipeline_mode<synchronous>, transform_indices = @transform_3, window_bounds = array<i64: 1, 128>}, {pipeline_mode = #tpu.pipeline_mode<synchronous>, transform_indices = @transform_4, window_bounds = array<i64: 128, 128>}, {transform_indices = @transform_5, window_bounds = array<i64: 1024, 128>}]} {
    %get3A = arith.constant 0 : index
    %get3A_0 = arith.constant 0 : index
    %get3A_1 = arith.constant 0 : index
    %get3A_2 = vector.load %arg1[%get3A, %get3A_0, %get3A_1] : memref<2x1024x128xf32, #tpu.memory_space<vmem>>, vector<1x1024x128xf32>
    %get3A_3 = vector.shape_cast %get3A_2 : vector<1x1024x128xf32> to vector<1024x128xf32>
    %get3A_4 = arith.constant 1 : index
    %get3A_5 = arith.constant 0 : index
    %get3A_6 = arith.constant 0 : index
    %get3A_7 = vector.load %arg1[%get3A_4, %get3A_5, %get3A_6] : memref<2x1024x128xf32, #tpu.memory_space<vmem>>, vector<1x1024x128xf32>
    %get3A_8 = vector.shape_cast %get3A_7 : vector<1x1024x128xf32> to vector<1024x128xf32>
    %add3A = arith.addf %get3A_3, %get3A_8 : vector<1024x128xf32>
    %add3A_9 = arith.constant 1.000000e+00 : f32
    %add3A_10 = vector.broadcast %add3A_9 : f32 to vector<1024x128xf32>
    %add3A_11 = arith.addf %add3A, %add3A_10 : vector<1024x128xf32>
    %rsqrt3A = math.rsqrt %add3A_11 : vector<1024x128xf32>
    %get3A_12 = arith.constant 0 : index
    %get3A_13 = arith.constant 0 : index
    %get3A_14 = arith.constant 0 : index
    %get3A_15 = vector.load %arg2[%get3A_12, %get3A_13, %get3A_14] : memref<2x1024x128xf32, #tpu.memory_space<vmem>>, vector<1x1024x128xf32>
    %get3A_16 = vector.shape_cast %get3A_15 : vector<1x1024x128xf32> to vector<1024x128xf32>
    %get3A_17 = arith.constant 1 : index
    %get3A_18 = arith.constant 0 : index
    %get3A_19 = arith.constant 0 : index
    %get3A_20 = vector.load %arg2[%get3A_17, %get3A_18, %get3A_19] : memref<2x1024x128xf32, #tpu.memory_space<vmem>>, vector<1x1024x128xf32>
    %get3A_21 = vector.shape_cast %get3A_20 : vector<1x1024x128xf32> to vector<1024x128xf32>
    %add3A_22 = arith.addf %get3A_16, %get3A_21 : vector<1024x128xf32>
    %get3A_23 = arith.constant 0 : index
    %get3A_24 = arith.constant 0 : index
    %get3A_25 = vector.load %arg3[%get3A_23, %get3A_24] : memref<1024x128xf32, #tpu.memory_space<vmem>>, vector<1024x128xf32>
    %add3A_26 = arith.addf %add3A_22, %get3A_25 : vector<1024x128xf32>
    %mul3A = arith.mulf %rsqrt3A, %add3A_26 : vector<1024x128xf32>
    %get3A_27 = arith.constant 0 : index
    %get3A_28 = arith.constant 0 : index
    %get3A_29 = vector.load %arg4[%get3A_27, %get3A_28] : memref<1x128xf32, #tpu.memory_space<vmem>>, vector<1x128xf32>
    %add3A_30 = vector.broadcast %get3A_29 : vector<1x128xf32> to vector<1024x128xf32>
    %add3A_31 = arith.addf %mul3A, %add3A_30 : vector<1024x128xf32>
    %max3A = arith.constant 0.000000e+00 : f32
    %max3A_32 = vector.broadcast %max3A : f32 to vector<1024x128xf32>
    %max3A_33 = arith.maximumf %add3A_31, %max3A_32 : vector<1024x128xf32>
    %get3A_34 = arith.constant 0 : index
    %get3A_35 = arith.constant 0 : index
    %get3A_36 = vector.load %arg5[%get3A_34, %get3A_35] : memref<128x128xf32, #tpu.memory_space<vmem>>, vector<128x128xf32>
    %dot_general3A = arith.constant dense<0.000000e+00> : vector<1024x128xf32>
    %dot_general3A_37 = tpu.matmul %max3A_33, %get3A_36, %dot_general3A {dimension_numbers = #tpu.dot_dimension_numbers<[1], [0], [0], [1], [0, 0, 1, 1], [], []>, transpose_lhs_hint = false} : vector<1024x128xf32>, vector<128x128xf32>, vector<1024x128xf32> -> vector<1024x128xf32>
    %mul3A_38 = arith.mulf %dot_general3A_37, %rsqrt3A : vector<1024x128xf32>
    %swap3A = arith.constant 0 : index
    %swap3A_39 = arith.constant 0 : index
    %swap3A_40 = vector.load %arg6[%swap3A, %swap3A_39] : memref<1024x128xf32, #tpu.memory_space<vmem>>, vector<1024x128xf32>
    tpu.vector_store %arg6[%swap3A, %swap3A_39], %mul3A_38 {strides = array<i32>} : memref<1024x128xf32, #tpu.memory_space<vmem>>, vector<1024x128xf32>,
    return
  }
  func.func @transform_0(%arg0: i32) -> (i32, i32, i32) {
    %c0_i32 = arith.constant 0 : i32
    %c0_i32_0 = arith.constant 0 : i32
    %c0_i32_1 = arith.constant 0 : i32
    return %c0_i32, %arg0, %c0_i32_0 : i32, i32, i32
  }
  func.func @transform_1(%arg0: i32) -> (i32, i32, i32) {
    %c0_i32 = arith.constant 0 : i32
    %c0_i32_0 = arith.constant 0 : i32
    %c0_i32_1 = arith.constant 0 : i32
    return %c0_i32, %arg0, %c0_i32_0 : i32, i32, i32
  }
  func.func @transform_2(%arg0: i32) -> (i32, i32) {
    %c0_i32 = arith.constant 0 : i32
    %c0_i32_0 = arith.constant 0 : i32
    return %arg0, %c0_i32 : i32, i32
  }
  func.func @transform_3(%arg0: i32) -> (i32, i32) {
    %c0_i32 = arith.constant 0 : i32
    %c0_i32_0 = arith.constant 0 : i32
    %c0_i32_1 = arith.constant 0 : i32
    return %c0_i32, %c0_i32_0 : i32, i32
  }
  func.func @transform_4(%arg0: i32) -> (i32, i32) {
    %c0_i32 = arith.constant 0 : i32
    %c0_i32_0 = arith.constant 0 : i32
    %c0_i32_1 = arith.constant 0 : i32
    return %c0_i32, %c0_i32_0 : i32, i32
  }
  func.func @transform_5(%arg0: i32) -> (i32, i32) {
    %c0_i32 = arith.constant 0 : i32
    %c0_i32_0 = arith.constant 0 : i32
    return %arg0, %c0_i32 : i32, i32
  }
}

module attributes {stable_mosaic.version = 14 : i64} {
  func.func @_fin_body(%arg0: i32, %arg1: memref<2x1000x128xf32, #tpu.memory_space<vmem>>, %arg2: memref<2x1000x128xf32, #tpu.memory_space<vmem>>, %arg3: memref<1000x128xf32, #tpu.memory_space<vmem>>, %arg4: memref<1x128xf32, #tpu.memory_space<vmem>>, %arg5: memref<1000x128xf32, #tpu.memory_space<vmem>>) attributes {dimension_semantics = [#tpu.dimension_semantics<arbitrary>], iteration_bounds = array<i64: 10>, scalar_prefetch = 0 : i64, scratch_operands = 0 : i64, tpu.core_type = #tpu.core_type<tc>, window_params = [{transform_indices = @transform_0, window_bounds = array<i64: 2, 1000, 128>}, {transform_indices = @transform_1, window_bounds = array<i64: 2, 1000, 128>}, {transform_indices = @transform_2, window_bounds = array<i64: 1000, 128>}, {pipeline_mode = #tpu.pipeline_mode<synchronous>, transform_indices = @transform_3, window_bounds = array<i64: 1, 128>}, {transform_indices = @transform_4, window_bounds = array<i64: 1000, 128>}]} {
    %get3A = arith.constant 0 : index
    %get3A_0 = arith.constant 0 : index
    %get3A_1 = arith.constant 0 : index
    %get3A_2 = vector.load %arg1[%get3A, %get3A_0, %get3A_1] : memref<2x1000x128xf32, #tpu.memory_space<vmem>>, vector<1x1000x128xf32>
    %get3A_3 = vector.shape_cast %get3A_2 : vector<1x1000x128xf32> to vector<1000x128xf32>
    %get3A_4 = arith.constant 1 : index
    %get3A_5 = arith.constant 0 : index
    %get3A_6 = arith.constant 0 : index
    %get3A_7 = vector.load %arg1[%get3A_4, %get3A_5, %get3A_6] : memref<2x1000x128xf32, #tpu.memory_space<vmem>>, vector<1x1000x128xf32>
    %get3A_8 = vector.shape_cast %get3A_7 : vector<1x1000x128xf32> to vector<1000x128xf32>
    %add3A = arith.addf %get3A_3, %get3A_8 : vector<1000x128xf32>
    %add3A_9 = arith.constant 1.000000e+00 : f32
    %add3A_10 = vector.broadcast %add3A_9 : f32 to vector<1000x128xf32>
    %add3A_11 = arith.addf %add3A, %add3A_10 : vector<1000x128xf32>
    %rsqrt3A = math.rsqrt %add3A_11 : vector<1000x128xf32>
    %get3A_12 = arith.constant 0 : index
    %get3A_13 = arith.constant 0 : index
    %get3A_14 = arith.constant 0 : index
    %get3A_15 = vector.load %arg2[%get3A_12, %get3A_13, %get3A_14] : memref<2x1000x128xf32, #tpu.memory_space<vmem>>, vector<1x1000x128xf32>
    %get3A_16 = vector.shape_cast %get3A_15 : vector<1x1000x128xf32> to vector<1000x128xf32>
    %get3A_17 = arith.constant 1 : index
    %get3A_18 = arith.constant 0 : index
    %get3A_19 = arith.constant 0 : index
    %get3A_20 = vector.load %arg2[%get3A_17, %get3A_18, %get3A_19] : memref<2x1000x128xf32, #tpu.memory_space<vmem>>, vector<1x1000x128xf32>
    %get3A_21 = vector.shape_cast %get3A_20 : vector<1x1000x128xf32> to vector<1000x128xf32>
    %add3A_22 = arith.addf %get3A_16, %get3A_21 : vector<1000x128xf32>
    %get3A_23 = arith.constant 0 : index
    %get3A_24 = arith.constant 0 : index
    %get3A_25 = vector.load %arg3[%get3A_23, %get3A_24] : memref<1000x128xf32, #tpu.memory_space<vmem>>, vector<1000x128xf32>
    %add3A_26 = arith.addf %add3A_22, %get3A_25 : vector<1000x128xf32>
    %mul3A = arith.mulf %rsqrt3A, %add3A_26 : vector<1000x128xf32>
    %get3A_27 = arith.constant 0 : index
    %get3A_28 = arith.constant 0 : index
    %get3A_29 = vector.load %arg4[%get3A_27, %get3A_28] : memref<1x128xf32, #tpu.memory_space<vmem>>, vector<1x128xf32>
    %add3A_30 = vector.broadcast %get3A_29 : vector<1x128xf32> to vector<1000x128xf32>
    %add3A_31 = arith.addf %mul3A, %add3A_30 : vector<1000x128xf32>
    %mul3A_32 = arith.mulf %add3A_31, %add3A_31 : vector<1000x128xf32>
    %reduce_sum3A = arith.constant dense<0.000000e+00> : vector<1000xf32>
    %reduce_sum3A_33 = vector.multi_reduction <add>, %mul3A_32, %reduce_sum3A [1] : vector<1000x128xf32> to vector<1000xf32>
    %broadcast_in_dim3A = vector.shape_cast %reduce_sum3A_33 : vector<1000xf32> to vector<1000x1xf32>
    %sqrt3A = math.sqrt %broadcast_in_dim3A : vector<1000x1xf32>
    %max3A = arith.constant 9.99999996E-13 : f32
    %max3A_34 = vector.broadcast %max3A : f32 to vector<1000x1xf32>
    %max3A_35 = arith.maximumf %sqrt3A, %max3A_34 : vector<1000x1xf32>
    %div3A = vector.broadcast %max3A_35 : vector<1000x1xf32> to vector<1000x128xf32>
    %div3A_36 = arith.divf %add3A_31, %div3A : vector<1000x128xf32>
    %swap3A = arith.constant 0 : index
    %swap3A_37 = arith.constant 0 : index
    %swap3A_38 = vector.load %arg5[%swap3A, %swap3A_37] : memref<1000x128xf32, #tpu.memory_space<vmem>>, vector<1000x128xf32>
    tpu.vector_store %arg5[%swap3A, %swap3A_37], %div3A_36 {strides = array<i32>} : memref<1000x128xf32, #tpu.memory_space<vmem>>, vector<1000x128xf32>,
    return
  }
  func.func @transform_0(%arg0: i32) -> (i32, i32, i32) {
    %c0_i32 = arith.constant 0 : i32
    %c0_i32_0 = arith.constant 0 : i32
    %c0_i32_1 = arith.constant 0 : i32
    return %c0_i32, %arg0, %c0_i32_0 : i32, i32, i32
  }
  func.func @transform_1(%arg0: i32) -> (i32, i32, i32) {
    %c0_i32 = arith.constant 0 : i32
    %c0_i32_0 = arith.constant 0 : i32
    %c0_i32_1 = arith.constant 0 : i32
    return %c0_i32, %arg0, %c0_i32_0 : i32, i32, i32
  }
  func.func @transform_2(%arg0: i32) -> (i32, i32) {
    %c0_i32 = arith.constant 0 : i32
    %c0_i32_0 = arith.constant 0 : i32
    return %arg0, %c0_i32 : i32, i32
  }
  func.func @transform_3(%arg0: i32) -> (i32, i32) {
    %c0_i32 = arith.constant 0 : i32
    %c0_i32_0 = arith.constant 0 : i32
    %c0_i32_1 = arith.constant 0 : i32
    return %c0_i32, %c0_i32_0 : i32, i32
  }
  func.func @transform_4(%arg0: i32) -> (i32, i32) {
    %c0_i32 = arith.constant 0 : i32
    %c0_i32_0 = arith.constant 0 : i32
    return %arg0, %c0_i32 : i32, i32
  }
}

</mosaic_0001>

<sc_bundles>
// kernel: kernel.11.cloned.1.call-start
scs
__scs_entry_jumppad:
0x0: {  	(pc) =	sbr.rel $0x88, $3  }
0x1: {  	(tag) =	ssettag $0x0;
	lr =	simm.s32 $0x1  }
0x2: {  	[smem:$0x3F9B] =	sst lr;
	_ =	strace $0xD0000000  }
0x3: {  	_ = 	snop  }
0x4: {  	_ = 	snop  }
0x5: {  	_ = 	snop  }
0x6: {  	_ = 	snop  }
0x7: {  	_ = 	snop  }
__scs_overlays_trampoline_lowered:
0x8: {  	[smem:$0x3FAA] =	sst s0  }
0x9: {  	[smem:$0x3FAB] =	sst s1  }
0xa: {  	[smem:$0x3FAC] =	sst s2  }
0xb: {  	[smem:$0x3FAD] =	sst s3  }
0xc: {  	[smem:$0x3FAE] =	sst s4  }
0xd: {  	[smem:$0x3FAF] =	sst s5  }
0xe: {  	[smem:$0x3FB0] =	sst s6  }
0xf: {  	[smem:$0x3FB1] =	sst s7  }
0x10: {  	[smem:$0x3FB2] =	sst s8  }
0x11: {  	[smem:$0x3FB3] =	sst s9;
	s0 =	simm.s32 @!p0 $0x0  }
0x12: {  	s1 =	sld [smem:$0x3F99];
	s0 =	simm.s32 @p0 $0x1  }
0x13: {  	[smem:$0x3FB4] =	sst s0;
	s0 =	simm.s32 @!p1 $0x0  }
0x14: {  	s2 =	sld [smem:$0x3F98];
	s0 =	simm.s32 @p1 $0x1  }
0x15: {  	[smem:$0x3FB5] =	sst s0;
	s0 =	simm.s32 @!p2 $0x0  }
0x16: {  	s3 =	sld [smem:$0x3FDB];
	s0 =	simm.s32 @p2 $0x1  }
0x17: {  	s4 =	simm.s32 $0x1BF5;
	[smem:$0x3FB7] =	sst s0  }
0x18: {  	s0 =	sld [smem:$0x3F9A];
	_ =	swait.ge [sflag:s4], $0x0  }
0x19: {  	s7 =	sld [smem:$0x3F9B]  }
0x1a: {  	s8 =	sadd.s32 $0xFFFFE003, lr  }
0x1b: {  	s9 =	sadd.s32 $0xFFFFFEF7, lr;
	s5 =	simm.s32 $0xFFFFFFFF;
	p2 =	slt.u32 s8, $0xFFFFF086  }
0x1c: {  	p1 =	slt.u32 s9, $0xF7A;
	s5 =	simm.s32 @!p2 $0x0  }
0x1d: {  	s5 =	simm.s32 @p1 $0x1;
	p0 =	seq.s32 s7, s2  }
0x1e: {  	s7 =	smul.u32 @!p0 $0xF7A, s2;
	p2 =	seq.s32 @!p0 s5, $0x0  }
0x1f: {  	s9 =	smul.u32 $0xF7A, s1;
	s8 =	simm.s32 @!p0 $0x1BF5;
	p2 =	por !p2, p0  }
0x20: {  	[sflag:s8] =	ssyncset.s32 @!p0 $0xFFFFF086;
	s6 =	sadd.s32 @!p0 s3, s7;
	s7 =	simm.s32 @!p0 $0x108  }
0x21: {  	s3 =	sadd.s32 s3, s9;
	s6 =	sadd.s32 @!p0 $0x88, s6;
	s7 =	simm.s32 @p2 $0x1082  }
0x22: {  	[simem:s7], [sflag:s8] =	dma.local @!p0 [hbm:s6], $0xF7A  }
0x23: {  	s9 =	sor.u32 $0xD0000000, s2;
	s6 =	simm.s32 $0x108;
	_ =	swait.ge @!p0 [sflag:s8], $0x0  }
0x24: {  	s3 =	sadd.s32 $0x88, s3;
	s6 =	simm.s32 @!p1 $0x1082;
	[sflag:s4] =	ssyncset.s32 $0xFFFFF086  }
0x25: {  	[simem:s6], [sflag:s4] =	dma.local [hbm:s3], $0xF7A  }
0x26: {  	[smem:$0x3F9B] =	sst s1;
	(tag) =	ssettag s2;
	_ =	strace s9  }
0x27: {  	s1 =	sld [smem:$0x3FAB]  }
0x28: {  	s2 =	sld [smem:$0x3FAC]  }
0x29: {  	s4 =	sld [smem:$0x3FAE]  }
0x2a: {  	p0 =	seq.s32 s5, $0x0;
	s5 =	sld [smem:$0x3FAF]  }
0x2b: {  	s6 =	sld [smem:$0x3FB0]  }
0x2c: {  	s7 =	sld [smem:$0x3FB1]  }
0x2d: {  	s3 =	simm.s32 $0x108;
	s8 =	sld [smem:$0x3FB2]  }
0x2e: {  	s3 =	simm.s32 @!p0 $0x1082;
	s9 =	sld [smem:$0x3FB3]  }
0x2f: {  	lr =	sadd.s32 s0, s3;
	s0 =	sld [smem:$0x3FAA]  }
0x30: {  	s3 =	sld [smem:$0x3FAD]  }
0x31: {  	[smem:$0x3FB6] =	sst s10  }
0x32: {  	s10 =	sld [smem:$0x3FB4];
	_ =	sdelay $0x3  }
0x33: {  	p0 =	seq.s32 s10, $0x1;
	s10 =	sld [smem:$0x3FB6];
	_ =	sdelay $0x3  }
0x34: {  	[smem:$0x3FB6] =	sst s10  }
0x35: {  	s10 =	sld [smem:$0x3FB5];
	_ =	sdelay $0x3  }
0x36: {  	p1 =	seq.s32 s10, $0x1;
	s10 =	sld [smem:$0x3FB6];
	_ =	sdelay $0x3  }
0x37: {  	[smem:$0x3FB6] =	sst s10  }
0x38: {  	s10 =	sld [smem:$0x3FB7]  }
0x39: {  	_ = 	snop;
	(pc) =	sbr.ind lr, $3  }
0x3a: {  	_ = 	snop  }
0x3b: {  	_ = 	snop  }
0x3c: {  	p2 =	seq.s32 s10, $0x1;
	s10 =	sld [smem:$0x3FB6]  }
0x3d: {  	_ =	shalt  }
0x3e: {  	_ =	shalt  }
0x3f: {  	_ =	shalt  }
0x40: {  	_ =	shalt  }
0x41: {  	_ =	shalt  }
0x42: {  	_ =	shalt  }
0x43: {  	_ =	shalt  }
0x44: {  	_ =	shalt  }
0x45: {  	_ =	shalt  }
0x46: {  	_ =	shalt  }
0x47: {  	_ =	shalt  }
0x48: {  	_ =	shalt  }
0x49: {  	_ =	shalt  }
0x4a: {  	_ =	shalt  }
0x4b: {  	_ =	shalt  }
0x4c: {  	_ =	shalt  }
0x4d: {  	_ =	shalt  }
0x4e: {  	_ =	shalt  }
0x4f: {  	_ =	shalt  }
0x50: {  	_ =	shalt  }
0x51: {  	_ =	shalt  }
0x52: {  	_ =	shalt  }
0x53: {  	_ =	shalt  }
0x54: {  	_ =	shalt  }
0x55: {  	_ =	shalt  }
0x56: {  	_ =	shalt  }
0x57: {  	_ =	shalt  }
0x58: {  	_ =	shalt  }
0x59: {  	_ =	shalt  }
0x5a: {  	_ =	shalt  }
0x5b: {  	_ =	shalt  }
0x5c: {  	_ =	shalt  }
0x5d: {  	_ =	shalt  }
0x5e: {  	_ =	shalt  }
0x5f: {  	_ =	shalt  }
0x60: {  	_ =	shalt  }
0x61: {  	_ =	shalt  }
0x62: {  	_ =	shalt  }
0x63: {  	_ =	shalt  }
0x64: {  	_ =	shalt  }
0x65: {  	_ =	shalt  }
0x66: {  	_ =	shalt  }
0x67: {  	_ =	shalt  }
0x68: {  	_ =	shalt  }
0x69: {  	_ =	shalt  }
0x6a: {  	_ =	shalt  }
0x6b: {  	_ =	shalt  }
0x6c: {  	_ =	shalt  }
0x6d: {  	_ =	shalt  }
0x6e: {  	_ =	shalt  }
0x6f: {  	_ =	shalt  }
0x70: {  	_ =	shalt  }
0x71: {  	_ =	shalt  }
0x72: {  	_ =	shalt  }
0x73: {  	_ =	shalt  }
0x74: {  	_ =	shalt  }
0x75: {  	_ =	shalt  }
0x76: {  	_ =	shalt  }
0x77: {  	_ =	shalt  }
0x78: {  	_ =	shalt  }
0x79: {  	_ =	shalt  }
0x7a: {  	_ =	shalt  }
0x7b: {  	_ =	shalt  }
0x7c: {  	_ =	shalt  }
0x7d: {  	_ =	shalt  }
0x7e: {  	_ =	shalt  }
0x7f: {  	_ =	shalt  }
0x80: {  	_ =	shalt  }
0x81: {  	_ =	shalt  }
0x82: {  	_ =	shalt  }
0x83: {  	_ =	shalt  }
0x84: {  	_ =	shalt  }
0x85: {  	_ =	shalt  }
0x86: {  	_ =	shalt  }
0x87: {  	_ =	shalt  }
.Lfunc_end0:
.L_simem_size_0:
called_computation.1_lowered:
.L_overlay_start_0:
0x88: {  	s2 =	sld [smem:$0x3FD9]  }
0x89: {  	s3 =	sld [smem:$0x3FFE];
	_ =	sdelay $0x1  }
0x8a: {  	s1 =	srdreg.scid  }
0x8b: {  	s0 =	sand.u32 $0x1, s1  }
0x8c: {  	s17 =	sshll.u32 s0, $0xA;
	s2 =	sadd.s32 s3, s2  }
0x8d: {  	s2 =	sadd.s32 s2, s17  }
0x8e: {  	[smem:$0x3FC2] =	sst s2  }
0x8f: {  	_ = 	snop  }
0x90: {  	s2 =	sld [smem:$0x3FD0];
	(tm) =	ssettm $0x1  }
0x91: {  	s18 =	sld [smem:$0x3FFB];
	_ =	sdelay $0x3  }
0x92: {  	_ =	strace s18  }
0x93: {  	s3 =	sld [smem:$0x3FFC];
	_ =	sdelay $0x3  }
0x94: {  	_ =	strace s3  }
0x95: {  	s3 =	sld [smem:$0x3FFD];
	_ =	sdelay $0x3  }
0x96: {  	_ =	strace s3  }
0x97: {  	_ =	strace $0x8FFFFFFF  }
0x98: {  	s19 =	sld [smem:$0x3FDB];
	_ =	sdelay $0x1  }
0x99: {  	s4 =	simm.s32 $_scs_section_size  }
0x9a: {  	s5 =	simm.s32 $_size__tile_overlayer_lowered;
	s6 =	simm.s32 $_tile_overlayer_lowered  }
0x9b: {  	s22 =	simm.s32 $0x1BFF;
	s21 =	sshll.u32 s6, $0x1;
	s3 =	sadd.s32 s4, s19  }
0x9c: {  	s7 =	simm.s32 $0x0;
	s20 =	sshll.u32 s5, $0x1;
	s5 =	sadd.s32 s21, s3  }
0x9d: {  	[timem:s7], [sflag:s22] =	dma.local [hbm:s5], s20  }
0x9e: {  	_ =	swait.ge [sflag:s22], s20  }
0x9f: {  	s4 =	ssub.s32 $0x0, s20;
	[sflag:s22] =	ssyncset.done $0x0  }
0xa0: {  	[sflag:s22] =	ssyncadd.s32 s4;
	_ =	sdelay $0x1  }
0xa1: {  	s23 =	simm.s32 $0x1B8B  }
0xa2: {  	_ =	swait.ge [sflag:s23], $0x1  }
0xa3: {  	[sflag:s23] =	ssyncset.done $0x0  }
0xa4: {  	s25 =	simm.s32 $0x1B8E;
	s24 =	sld [smem:$0x3FFE];
	[sflag:s23] =	ssyncadd.s32 $0xFFFFFFFF  }
0xa5: {  	s26 =	simm.s32 $execute0_lowered;
	[smem:$0x3FD2] =	sst s25  }
0xa6: {  	s5 =	sshll.u32 s26, $0x1;
	_ =	strace $0x80000049;
	[dreg:$0x1] =	wrdreg $0xFFFFFFFF  }
0xa7: {  	s28 =	simm.s32 $_size_execute0_lowered;
	s3 =	sadd.s32 s3, s5;
	[dreg:$0x0] =	wrdreg $0x0  }
0xa8: {  	s5 =	sshll.u32 s28, $0x1;
	[dreg:$0x2] =	wrdreg s3  }
0xa9: {  	[dreg:$0x3] =	wrdreg s5  }
0xaa: {  	[dreg:$0x4] =	wrdreg $0xC0  }
0xab: {  	_ =	task [dreg:s7], $0x5FFFF  }
0xac: {  	[dreg:$0x1] =	wrdreg $0xFFFFFFFF  }
0xad: {  	[dreg:$0x0] =	wrdreg $0x60  }
0xae: {  	[dreg:$0x2] =	wrdreg s24  }
0xaf: {  	[dreg:$0x3] =	wrdreg s2  }
0xb0: {  	[dreg:$0x4] =	wrdreg $0xB8000  }
0xb1: {  	[dreg:$0x5] =	wrdreg $0x9  }
0xb2: {  	_ =	task.clear_ibuf [dreg:s7], $0x6FFFF;
	_ =	strace $0x90000049  }
0xb3: {  	s29 =	simm.s32 $0x9;
	_ =	strace $0x8000004B  }
0xb4: {  	_ =	swait.ge [sflag:s29], $0x1  }
0xb5: {  	[sflag:s29] =	ssyncadd.s32 $0xFFFFFFFF  }
0xb6: {  	_ =	strace $0x9000004B  }
0xb7: {  	_ =	sfence  }
0xb8: {  	s30 =	sld [smem:$0x0];
	_ =	sdelay $0x2  }
0xb9: {  	s31 =	sshll.u32 s1, $0xD;
	s1 =	sshrl.u32 s1, $0x2  }
0xba: {  	s3 =	sand.u32 $0x4000, s31;
	s1 =	sadd.s32 s1, s30  }
0xbb: {  	s0 =	sor.u32 s3, s0;
	s1 =	sshll.u32 s1, $0x11  }
0xbc: {  	s0 =	sor.u32 s1, s0  }
0xbd: {  	s0 =	sadd.s32 $0x8F2B, s0  }
0xbe: {  	[sflag:s0] =	ssyncadd.remote.s32 $0x1  }
0xbf: {  	_ =	sfence.sel $0xFFFF  }
0xc0: {  	[dreg:$0x0] =	wrdreg $0xFFFFFFFF;
	(pc) =	sbr.abs _section_cstart, $3  }
0xc1: {  	[dreg:$0x1] =	wrdreg $0xFFFFFFFF  }
0xc2: {  	_ =	task.clear_ibuf [dreg:s7], $0x2FFFF;
	_ =	strace $0x9FFFFFFF  }
0xc3: {  	(tm) =	ssettm $0x7FFFFFFF  }
tec
execute0_lowered:
.L_overlay_start_1:
0x0: {  	(tag) =	ssettag $0x1  }
0x1: {  	s5 =	rddreg [dreg:$0x0]  }
0x2: {  	s10 =	rddreg [dreg:$0x1]  }
0x3: {  	s2 =	rddreg [dreg:$0x2];
	s3 =	simm.s32 $0x0;
	s1 =	stileid.u32  }
0x4: {  	s4 =	srdreg.scid;
	s16 =	simm.s32 $0x4000;
	s17 =	simm.s32 $0x80  }
0x5: {  	s18 =	simm.s32 $0x6800;
	s19 =	simm.s32 $0x0;
	[smem:$0x7FF] =	sst s3  }
0x6: {  	s6 =	smul.u32 $0x14000, s1;
	s7 =	sand.u32 $0x1, s4;
	s4 =	sadd.s32 $0x2A000, s5  }
0x7: {  	s9 =	sadd.s32 $0x7A000, s5;
	s12 =	smul.u32 $0x50000, s1;
	s28 =	sshll.u32 s1, $0xB  }
0x8: {  	s29 =	sshll.u32 s1, $0x6;
	_ =	strace $0x8000004A;
	s8 =	smul.u32 $0x140000, s7  }
0x9: {  	s24 =	ssub.s32 $0x2, s7;
	s26 =	sshll.u32 s7, $0xF;
	s11 =	sshrl.u32 s6, $0x3  }
0xa: {  	s13 =	sshrl.u32 s24, $0x1;
	s25 =	sshrl.u32 s12, $0x2;
	s30 =	sor.u32 s28, s26  }
0xb: {  	s6 =	sadd.s32 s6, s8;
	s11 =	sadd.s32 s11, s5;
	s13 =	ssub.s32 s24, s13  }
0xc: {  	s15 =	sadd.s32 s25, s2;
	s7 =	sadd.s32 s9, s30;
	s31 =	sor.u32 $0x400, s30  }
0xd: {  	s8 =	sadd.s32 s10, s30;
	s6 =	sshrl.u32 s6, $0x3;
	s9 =	sadd.s32 s9, s31  }
0xe: {  	s10 =	sadd.s32 s10, s31;
	s12 =	smax.u32 s13, $0x1;
	s13 =	sshrl.u32 s15, $0x3  }
0xf: {  	s15 =	simm.s32 $0x50;
	s14 =	sadd.s32 s6, s5;
	s5 =	sadd.s32 $0x2000, s11  }
0x10: {  	s6 =	sor.u32 $0x1C04, s29;
	s11 =	sadd.s32 $0x8A000, s14;
	s14 =	simm.s32 $0x4  }
.LBB2_1:
0x11: {  	[spmem:s13], [sflag:s6] =	dma.local [hbm:s5], $0x2800  }
0x12: {  	s20 =	simm.s32 $0x2000;
	p0 =	por $0x0, $0x0;
	s22 =	smul.u32 $0xAB, s3  }
0x13: {  	s23 =	simm.s32 $0x100;
	p1 =	por $0x0, $0x0;
	_ =	swait.ge [sflag:s14], $0x2800  }
0x14: {  	s21 =	simm.s32 @!p0 $0x2;
	s28 =	simm.s32 @!p1 $0x3;
	[sflag:s14] =	ssyncset.done $0x0  }
0x15: {  	s21 =	smul.u32 @!p0 $0xAB, s21;
	s22 =	sshrl.u32 s22, $0x9;
	[sflag:s14] =	ssyncadd.s32 $0xFFFFD800  }
0x16: {  	s30 =	smul.u32 @!p1 $0xAB, s28;
	s22 =	sand.u32 $0x7F, s22;
	[bflag:$0x0] =	sbarrier.arrive $0xFFFF  }
0x17: {  	[tilespmem:s3], [sflag:$0x4] =	stream.linear.gather [hbm4b:s7+s3], $0x2000, $0x38;
	[tilespmem:$0x1F800] =	vst v63  }
0x18: {  	s21 =	sshrl.u32 @!p0 s21, $0x9;
	p0 =	por p0, p0;
	_ =	swait.ge [sflag:s14], $0x2000  }
0x19: {  	s25 =	smul.u32 $0x3, s22;
	s21 =	sand.u32 @!p0 $0x7F, s21;
	[sflag:s14] =	ssyncset.done $0x0  }
0x1a: {  	s24 =	simm.s32 $0x2;
	s21 =	smul.u32 @!p0 $0x3, s21;
	[sflag:s14] =	ssyncadd.s32 $0xFFFFE000  }
0x1b: {  	[tilespmem:s20], [sflag:$0x4] =	stream.linear.gather [hbm4b:s8+s3], $0x2000, $0x38;
	[tilespmem:$0x1F800] =	vst v63  }
0x1c: {  	s22 =	simm.s32 $0x1;
	s21 =	ssub.s32 @!p0 $0x2, s21;
	_ =	swait.ge [sflag:s14], $0x2000  }
0x1d: {  	s25 =	ssub.s32 $0x0, s25;
	s21 =	sand.u32 @!p0 $0xFF, s21;
	[sflag:s14] =	ssyncset.done $0x0  }
0x1e: {  	s25 =	sand.u32 $0xFF, s25;
	s26 =	smul.u32 @!p0 $0xA000, s21;
	[sflag:s14] =	ssyncadd.s32 $0xFFFFE000  }
0x1f: {  	[tilespmem:s16], [sflag:$0x1] =	stream.indirect.gather [hbm4b:s4+s15], $0x80, s3, s15, $0xb8;
	[tilespmem:$0x1F800] =	vst v63  }
0x20: {  	s31 =	simm.s32 @!p0 $0x50;
	s29 =	smul.u32 $0xA000, s25;
	s26 =	sshrl.u32 @!p0 s26, $0x2  }
0x21: {  	[tilespmem:s18], [sflag:$0x2] =	stream.indirect.gather [hbm4b:s4+s15], $0x80, s17, s15, $0xb8;
	[tilespmem:$0x1F800] =	vst v63  }
0x22: {  	s25 =	sadd.s32 $0x1, s25;
	s21 =	sadd.s32 @!p0 $0x1, s21;
	s26 =	sadd.s32 @!p0 $0x4000, s26  }
0x23: {  	[tilespmem:s26], [sflag:s21] =	stream.indirect.gather @!p0 [hbm4b:s4+s31], $0x80, s23, s31, $0xb8;
	[tilespmem:$0x1F800] =	vst v63  }
0x24: {  	s26 =	sshrl.u32 s29, $0x2;
	s21 =	sshrl.u32 @!p1 s30, $0x9;
	p0 =	por p1, p1  }
0x25: {  	s29 =	smul.u32 $0xAB, s22;
	s30 =	sand.u32 @!p0 $0x7F, s21;
	s21 =	simm.s32 $0x2080  }
.LBB2_2:
0x26: {  	s30 =	smul.u32 @!p0 $0x3, s30  }
0x27: {  	s23 =	sadd.s32 $0x80, s23;
	s31 =	smov.u32 s24;
	s24 =	sadd.s32 $0x1, s24  }
0x28: {  	p1 =	sne.s32 s24, $0x40;
	s29 =	sshrl.u32 s29, $0x9  }
0x29: {  	s26 =	sadd.s32 $0x4000, s26;
	s29 =	sand.u32 $0x7F, s29;
	s28 =	ssub.s32 @!p0 s28, s30  }
0x2a: {  	s29 =	smul.u32 $0x3, s29;
	s28 =	sand.u32 @!p0 $0xFF, s28;
	_ =	swait.ge [sflag:s25], $0x2800  }
0x2b: {  	s30 =	smul.u32 @!p0 $0xA000, s28;
	s0 =	sadd.s32 @!p0 $0x1, s28;
	[sflag:s25] =	ssyncset.done $0x0  }
0x2c: {  	s28 =	ssub.s32 s22, s29;
	[sflag:s25] =	ssyncadd.s32 $0xFFFFD800;
	s22 =	smov.u32 s31  }
0x2d: {  	s25 =	sand.u32 $0xFF, s28;
	s28 =	sshrl.u32 @!p0 s30, $0x2;
	p2 =	sgt.u32 s22, $0x3D  }
0x2e: {  	[spmem:s2] =	stream.indirect.scatter.add.f32 [tilespmem:s26], [sflag:$0x4], $0x80, s20, s15, $0xb8;
	[tilespmem:$0x1F800] =	vst v63  }
0x2f: {  	s29 =	sadd.s32 @!p0 $0x4000, s28;
	s20 =	smul.u32 $0xA000, s25;
	_ =	swait.ge [sflag:s14], $0x2800  }
0x30: {  	s25 =	sadd.s32 $0x1, s25;
	s28 =	sadd.s32 @!p2 $0x2, s22;
	[sflag:s14] =	ssyncset.done $0x0  }
.Ltmp0:
0x31: {  	s26 =	sshrl.u32 s20, $0x2;
	[sflag:s14] =	ssyncadd.s32 $0xFFFFD800;
	(pc) =	sbr.rel @p1 .LBB2_2-.Ltmp0, $4  }
0x32: {  	s31 =	simm.s32 @!p0 $0x50;
	s30 =	smul.u32 @!p2 $0xAB, s28;
	s20 =	smov.u32 s21  }
0x33: {  	[tilespmem:s29], [sflag:s0] =	stream.indirect.gather @!p0 [hbm4b:s4+s31], $0x80, s23, s31, $0xb8;
	[tilespmem:$0x1F800] =	vst v63  }
0x34: {  	s0 =	sshrl.u32 @!p2 s30, $0x9;
	p0 =	por p2, p2  }
0x35: {  	s21 =	sadd.s32 $0x80, s21;
	s29 =	smul.u32 $0xAB, s22;
	s30 =	sand.u32 @!p0 $0x7F, s0  }
0x36: {  	s0 =	smul.u32 @!p0 $0x3, s30;
	_ =	swait.ge [sflag:s25], $0x2800  }
0x37: {  	s23 =	sadd.s32 $0x80, s23;
	s24 =	sshrl.u32 s29, $0x9;
	[sflag:s25] =	ssyncset.done $0x0  }
0x38: {  	s24 =	sand.u32 $0x7F, s24;
	s0 =	ssub.s32 @!p0 s28, s0;
	[sflag:s25] =	ssyncadd.s32 $0xFFFFD800  }
0x39: {  	s25 =	sadd.s32 $0x4000, s26;
	s24 =	smul.u32 $0x3, s24;
	s0 =	sand.u32 @!p0 $0xFF, s0  }
0x3a: {  	[spmem:s2] =	stream.indirect.scatter.add.f32 [tilespmem:s25], [sflag:$0x4], $0x80, s20, s15, $0xb8;
	[tilespmem:$0x1F800] =	vst v63  }
0x3b: {  	s25 =	simm.s32 @!p0 $0x50;
	s28 =	smul.u32 @!p0 $0xA000, s0;
	_ =	swait.ge [sflag:s14], $0x2800  }
0x3c: {  	s0 =	sadd.s32 @!p0 $0x1, s0;
	s22 =	ssub.s32 s22, s24;
	[sflag:s14] =	ssyncset.done $0x0  }
0x3d: {  	s26 =	sand.u32 $0xFF, s22;
	s22 =	sshrl.u32 @!p0 s28, $0x2;
	[sflag:s14] =	ssyncadd.s32 $0xFFFFD800  }
0x3e: {  	s22 =	sadd.s32 @!p0 $0x4000, s22;
	s31 =	smul.u32 $0xA000, s26;
	s20 =	sadd.s32 $0x1, s26  }
0x3f: {  	[tilespmem:s22], [sflag:s0] =	stream.indirect.gather @!p0 [hbm4b:s4+s25], $0x80, s23, s25, $0xb8;
	[tilespmem:$0x1F800] =	vst v63  }
0x40: {  	p1 =	por $0x0, $0x0;
	_ =	swait.ge [sflag:s20], $0x2800  }
0x41: {  	p0 =	por $0x0, $0x0;
	s26 =	sshrl.u32 s31, $0x2;
	[sflag:s20] =	ssyncset.done $0x0  }
0x42: {  	s31 =	simm.s32 $0x0;
	s0 =	sadd.s32 $0x4000, s26;
	[sflag:s20] =	ssyncadd.s32 $0xFFFFD800  }
0x43: {  	[spmem:s2] =	stream.indirect.scatter.add.f32 [tilespmem:s0], [sflag:$0x4], $0x80, s21, s15, $0xb8;
	[tilespmem:$0x1F800] =	vst v63  }
0x44: {  	s24 =	simm.s32 $0x2;
	s21 =	simm.s32 @!p0 $0x2;
	s0 =	smul.u32 $0xAB, s31  }
0x45: {  	s28 =	simm.s32 @!p1 $0x3;
	_ =	swait.ge [sflag:s14], $0x2800;
	s21 =	smul.u32 @!p0 $0xAB, s21  }
0x46: {  	s23 =	simm.s32 $0x100;
	s22 =	simm.s32 $0x1;
	[sflag:s14] =	ssyncset.done $0x0  }
0x47: {  	s0 =	sshrl.u32 s0, $0x9;
	[sflag:s14] =	ssyncadd.s32 $0xFFFFD800;
	s21 =	sshrl.u32 @!p0 s21, $0x9  }
0x48: {  	[tilespmem:s31], [sflag:$0x4] =	stream.linear.gather [hbm4b:s9+s31], $0x2000, $0x38;
	[tilespmem:$0x1F800] =	vst v63  }
0x49: {  	p0 =	por p0, p0;
	s0 =	sand.u32 $0x7F, s0;
	_ =	swait.ge [sflag:s14], $0x2000  }
0x4a: {  	s21 =	sand.u32 @!p0 $0x7F, s21;
	s0 =	smul.u32 $0x3, s0;
	[sflag:s14] =	ssyncset.done $0x0  }
0x4b: {  	s20 =	simm.s32 $0x2000;
	s21 =	smul.u32 @!p0 $0x3, s21;
	[sflag:s14] =	ssyncadd.s32 $0xFFFFE000  }
0x4c: {  	[tilespmem:s20], [sflag:$0x4] =	stream.linear.gather [hbm4b:s10+s31], $0x2000, $0x38;
	[tilespmem:$0x1F800] =	vst v63  }
0x4d: {  	s30 =	simm.s32 @!p0 $0x50;
	s21 =	ssub.s32 @!p0 $0x2, s21;
	_ =	swait.ge [sflag:s14], $0x2000  }
0x4e: {  	s0 =	ssub.s32 $0x0, s0;
	s21 =	sand.u32 @!p0 $0xFF, s21;
	[sflag:s14] =	ssyncset.done $0x0  }
0x4f: {  	s0 =	sand.u32 $0xFF, s0;
	s25 =	smul.u32 @!p0 $0xA000, s21;
	[sflag:s14] =	ssyncadd.s32 $0xFFFFE000  }
0x50: {  	[tilespmem:s16], [sflag:$0x1] =	stream.indirect.gather [hbm4b:s4+s15], $0x80, s31, s15, $0xb8;
	[tilespmem:$0x1F800] =	vst v63  }
0x51: {  	s29 =	smul.u32 $0xA000, s0;
	s21 =	sadd.s32 @!p0 $0x1, s21;
	s25 =	sshrl.u32 @!p0 s25, $0x2  }
0x52: {  	[tilespmem:s18], [sflag:$0x2] =	stream.indirect.gather [hbm4b:s4+s15], $0x80, s17, s15, $0xb8;
	[tilespmem:$0x1F800] =	vst v63  }
0x53: {  	s26 =	sadd.s32 @!p0 $0x4000, s25;
	s25 =	sadd.s32 $0x1, s0;
	s0 =	smul.u32 @!p1 $0xAB, s28  }
0x54: {  	[tilespmem:s26], [sflag:s21] =	stream.indirect.gather @!p0 [hbm4b:s4+s30], $0x80, s23, s30, $0xb8;
	[tilespmem:$0x1F800] =	vst v63  }
0x55: {  	s0 =	sshrl.u32 @!p1 s0, $0x9;
	s26 =	sshrl.u32 s29, $0x2;
	p0 =	por p1, p1  }
0x56: {  	s29 =	smul.u32 $0xAB, s22;
	s21 =	simm.s32 $0x2080;
	s30 =	sand.u32 @!p0 $0x7F, s0  }
.LBB2_4:
0x57: {  	s0 =	smul.u32 @!p0 $0x3, s30  }
0x58: {  	s23 =	sadd.s32 $0x80, s23;
	s30 =	smov.u32 s24;
	s24 =	sadd.s32 $0x1, s24  }
0x59: {  	p1 =	sne.s32 s24, $0x40;
	s29 =	sshrl.u32 s29, $0x9  }
0x5a: {  	s26 =	sadd.s32 $0x4000, s26;
	s29 =	sand.u32 $0x7F, s29;
	s0 =	ssub.s32 @!p0 s28, s0  }
0x5b: {  	s28 =	smul.u32 $0x3, s29;
	s0 =	sand.u32 @!p0 $0xFF, s0;
	_ =	swait.ge [sflag:s25], $0x2800  }
0x5c: {  	s29 =	smul.u32 @!p0 $0xA000, s0;
	s0 =	sadd.s32 @!p0 $0x1, s0;
	[sflag:s25] =	ssyncset.done $0x0  }
0x5d: {  	s28 =	ssub.s32 s22, s28;
	[sflag:s25] =	ssyncadd.s32 $0xFFFFD800;
	s22 =	smov.u32 s30  }
0x5e: {  	s25 =	sand.u32 $0xFF, s28;
	s28 =	sshrl.u32 @!p0 s29, $0x2;
	p2 =	sgt.u32 s22, $0x3D  }
0x5f: {  	[spmem:s2] =	stream.indirect.scatter.add.f32 [tilespmem:s26], [sflag:$0x4], $0x80, s20, s15, $0xb8;
	[tilespmem:$0x1F800] =	vst v63  }
0x60: {  	s29 =	sadd.s32 @!p0 $0x4000, s28;
	s20 =	smul.u32 $0xA000, s25;
	_ =	swait.ge [sflag:s14], $0x2800  }
0x61: {  	s25 =	sadd.s32 $0x1, s25;
	s28 =	sadd.s32 @!p2 $0x2, s22;
	[sflag:s14] =	ssyncset.done $0x0  }
.Ltmp1:
0x62: {  	s26 =	sshrl.u32 s20, $0x2;
	[sflag:s14] =	ssyncadd.s32 $0xFFFFD800;
	(pc) =	sbr.rel @p1 .LBB2_4-.Ltmp1, $4  }
0x63: {  	s31 =	simm.s32 @!p0 $0x50;
	s30 =	smul.u32 @!p2 $0xAB, s28;
	s20 =	smov.u32 s21  }
0x64: {  	[tilespmem:s29], [sflag:s0] =	stream.indirect.gather @!p0 [hbm4b:s4+s31], $0x80, s23, s31, $0xb8;
	[tilespmem:$0x1F800] =	vst v63  }
0x65: {  	s0 =	sshrl.u32 @!p2 s30, $0x9;
	p0 =	por p2, p2  }
0x66: {  	s21 =	sadd.s32 $0x80, s21;
	s29 =	smul.u32 $0xAB, s22;
	s30 =	sand.u32 @!p0 $0x7F, s0  }
0x67: {  	s0 =	smul.u32 @!p0 $0x3, s30;
	s23 =	sadd.s32 $0x80, s23  }
0x68: {  	_ =	swait.ge [sflag:s25], $0x2800;
	s26 =	sadd.s32 $0x4000, s26;
	s24 =	sshrl.u32 s29, $0x9  }
0x69: {  	[sflag:s25] =	ssyncset.done $0x0;
	s24 =	sand.u32 $0x7F, s24;
	s0 =	ssub.s32 @!p0 s28, s0  }
0x6a: {  	[sflag:s25] =	ssyncadd.s32 $0xFFFFD800;
	s24 =	smul.u32 $0x3, s24;
	s0 =	sand.u32 @!p0 $0xFF, s0  }
0x6b: {  	[spmem:s2] =	stream.indirect.scatter.add.f32 [tilespmem:s26], [sflag:$0x4], $0x80, s20, s15, $0xb8;
	[tilespmem:$0x1F800] =	vst v63  }
0x6c: {  	s25 =	simm.s32 @!p0 $0x50;
	s28 =	smul.u32 @!p0 $0xA000, s0;
	_ =	swait.ge [sflag:s14], $0x2800  }
0x6d: {  	s0 =	sadd.s32 @!p0 $0x1, s0;
	s22 =	ssub.s32 s22, s24;
	[sflag:s14] =	ssyncset.done $0x0  }
0x6e: {  	s29 =	sand.u32 $0xFF, s22;
	s22 =	sshrl.u32 @!p0 s28, $0x2;
	[sflag:s14] =	ssyncadd.s32 $0xFFFFD800  }
0x6f: {  	s22 =	sadd.s32 @!p0 $0x4000, s22;
	s30 =	smul.u32 $0xA000, s29;
	s20 =	sadd.s32 $0x1, s29  }
0x70: {  	[tilespmem:s22], [sflag:s0] =	stream.indirect.gather @!p0 [hbm4b:s4+s25], $0x80, s23, s25, $0xb8;
	[tilespmem:$0x1F800] =	vst v63  }
0x71: {  	_ =	swait.ge [sflag:s20], $0x2800  }
0x72: {  	s31 =	sshrl.u32 s30, $0x2;
	[sflag:s20] =	ssyncset.done $0x0  }
0x73: {  	s0 =	sadd.s32 $0x4000, s31;
	[sflag:s20] =	ssyncadd.s32 $0xFFFFD800  }
0x74: {  	[spmem:s2] =	stream.indirect.scatter.add.f32 [tilespmem:s0], [sflag:$0x4], $0x80, s21, s15, $0xb8;
	[tilespmem:$0x1F800] =	vst v63  }
0x75: {  	_ =	swait.ge [sflag:s14], $0x2800  }
0x76: {  	s19 =	sadd.s32 $0x1, s19;
	[sflag:s14] =	ssyncset.done $0x0  }
0x77: {  	p0 =	sne.s32 s19, s12;
	[sflag:s14] =	ssyncadd.s32 $0xFFFFD800  }
.Ltmp2:
0x78: {  	[bflag:$0x0] =	sbarrier.arrive $0xFFFF;
	(pc) =	sbr.rel @p0 .LBB2_1-.Ltmp2, $4  }
0x79: {  	[hbm:s11], [sflag:s6] =	dma.local [spmem:s13], $0x2800  }
0x7a: {  	_ =	swait.ge [sflag:s14], $0x2800  }
0x7b: {  	[sflag:s14] =	ssyncset.done $0x0  }
0x7c: {  	[sflag:s14] =	ssyncadd.s32 $0xFFFFD800  }
0x7d: {  	_ =	sfence.sel $0x180000  }
0x7e: {  	[bflag:$0x0] =	sbarrier.arrive $0xFFFF  }
0x7f: {  	_ =	strace $0x9000004A  }
0x80: {  	[bflag:$0x2] =	sbarrier.arrive $0xFFFF  }
0x81: {  	p0 =	sne.s32 s1, $0x0;
	s0 =	rddreg [dreg:$0x3]  }
0x82: {  	s0 =	sadd.s32 @!p0 $0x100000, s0  }
0x83: {  	[sflag:s0] =	ssyncadd.tile.s32 @!p0 $0x1;
	_ =	shalt  }
.Lfunc_end2:
_tile_overlayer_lowered:
.L_overlay_start_2:
0x84: {  	(tag) =	ssettag $0x2  }
0x85: {  	s0 =	rddreg [dreg:$0x0];
	s2 =	stileid.u32  }
0x86: {  	s1 =	rddreg [dreg:$0x1];
	p0 =	sne.s32 s2, $0x0  }
0x87: {  	s3 =	rddreg [dreg:$0x2];
	[bflag:$0x3] =	sbarrier.arrive $0xFFFF;
	s2 =	simm.s32 @!p0 $0x1C04  }
0x88: {  	[timem:s3], [sflag:s2] =	dma.local @!p0 [hbm:s0], s1  }
0x89: {  	s0 =	simm.s32 @!p0 $0x4  }
0x8a: {  	_ =	swait.ge @!p0 [sflag:s0], s1  }
0x8b: {  	s1 =	ssub.s32 @!p0 $0x0, s1;
	[sflag:s0] =	ssyncset.done @!p0 $0x0  }
0x8c: {  	[sflag:s0] =	ssyncadd.s32 @!p0 s1  }
0x8d: {  	[bflag:$0x3] =	sbarrier.arrive $0xFFFF  }
0x8e: {  	_ =	shalt  }

// kernel: kernel.14.cloned.1.call-start
scs
__scs_entry_jumppad:
0x0: {  	(pc) =	sbr.rel $0x88, $3  }
0x1: {  	(tag) =	ssettag $0x0;
	lr =	simm.s32 $0x1  }
0x2: {  	[smem:$0x3F9B] =	sst lr;
	_ =	strace $0xD0000000  }
0x3: {  	_ = 	snop  }
0x4: {  	_ = 	snop  }
0x5: {  	_ = 	snop  }
0x6: {  	_ = 	snop  }
0x7: {  	_ = 	snop  }
__scs_overlays_trampoline_lowered:
0x8: {  	[smem:$0x3FAA] =	sst s0  }
0x9: {  	[smem:$0x3FAB] =	sst s1  }
0xa: {  	[smem:$0x3FAC] =	sst s2  }
0xb: {  	[smem:$0x3FAD] =	sst s3  }
0xc: {  	[smem:$0x3FAE] =	sst s4  }
0xd: {  	[smem:$0x3FAF] =	sst s5  }
0xe: {  	[smem:$0x3FB0] =	sst s6  }
0xf: {  	[smem:$0x3FB1] =	sst s7  }
0x10: {  	[smem:$0x3FB2] =	sst s8  }
0x11: {  	[smem:$0x3FB3] =	sst s9;
	s0 =	simm.s32 @!p0 $0x0  }
0x12: {  	s1 =	sld [smem:$0x3F99];
	s0 =	simm.s32 @p0 $0x1  }
0x13: {  	[smem:$0x3FB4] =	sst s0;
	s0 =	simm.s32 @!p1 $0x0  }
0x14: {  	s2 =	sld [smem:$0x3F98];
	s0 =	simm.s32 @p1 $0x1  }
0x15: {  	[smem:$0x3FB5] =	sst s0;
	s0 =	simm.s32 @!p2 $0x0  }
0x16: {  	s3 =	sld [smem:$0x3FDB];
	s0 =	simm.s32 @p2 $0x1  }
0x17: {  	s4 =	simm.s32 $0x1BF5;
	[smem:$0x3FB7] =	sst s0  }
0x18: {  	s0 =	sld [smem:$0x3F9A];
	_ =	swait.ge [sflag:s4], $0x0  }
0x19: {  	s7 =	sld [smem:$0x3F9B]  }
0x1a: {  	s8 =	sadd.s32 $0xFFFFE003, lr  }
0x1b: {  	s9 =	sadd.s32 $0xFFFFFEF7, lr;
	s5 =	simm.s32 $0xFFFFFFFF;
	p2 =	slt.u32 s8, $0xFFFFF086  }
0x1c: {  	p1 =	slt.u32 s9, $0xF7A;
	s5 =	simm.s32 @!p2 $0x0  }
0x1d: {  	s5 =	simm.s32 @p1 $0x1;
	p0 =	seq.s32 s7, s2  }
0x1e: {  	s7 =	smul.u32 @!p0 $0xF7A, s2;
	p2 =	seq.s32 @!p0 s5, $0x0  }
0x1f: {  	s9 =	smul.u32 $0xF7A, s1;
	s8 =	simm.s32 @!p0 $0x1BF5;
	p2 =	por !p2, p0  }
0x20: {  	[sflag:s8] =	ssyncset.s32 @!p0 $0xFFFFF086;
	s6 =	sadd.s32 @!p0 s3, s7;
	s7 =	simm.s32 @!p0 $0x108  }
0x21: {  	s3 =	sadd.s32 s3, s9;
	s6 =	sadd.s32 @!p0 $0x88, s6;
	s7 =	simm.s32 @p2 $0x1082  }
0x22: {  	[simem:s7], [sflag:s8] =	dma.local @!p0 [hbm:s6], $0xF7A  }
0x23: {  	s9 =	sor.u32 $0xD0000000, s2;
	s6 =	simm.s32 $0x108;
	_ =	swait.ge @!p0 [sflag:s8], $0x0  }
0x24: {  	s3 =	sadd.s32 $0x88, s3;
	s6 =	simm.s32 @!p1 $0x1082;
	[sflag:s4] =	ssyncset.s32 $0xFFFFF086  }
0x25: {  	[simem:s6], [sflag:s4] =	dma.local [hbm:s3], $0xF7A  }
0x26: {  	[smem:$0x3F9B] =	sst s1;
	(tag) =	ssettag s2;
	_ =	strace s9  }
0x27: {  	s1 =	sld [smem:$0x3FAB]  }
0x28: {  	s2 =	sld [smem:$0x3FAC]  }
0x29: {  	s4 =	sld [smem:$0x3FAE]  }
0x2a: {  	p0 =	seq.s32 s5, $0x0;
	s5 =	sld [smem:$0x3FAF]  }
0x2b: {  	s6 =	sld [smem:$0x3FB0]  }
0x2c: {  	s7 =	sld [smem:$0x3FB1]  }
0x2d: {  	s3 =	simm.s32 $0x108;
	s8 =	sld [smem:$0x3FB2]  }
0x2e: {  	s3 =	simm.s32 @!p0 $0x1082;
	s9 =	sld [smem:$0x3FB3]  }
0x2f: {  	lr =	sadd.s32 s0, s3;
	s0 =	sld [smem:$0x3FAA]  }
0x30: {  	s3 =	sld [smem:$0x3FAD]  }
0x31: {  	[smem:$0x3FB6] =	sst s10  }
0x32: {  	s10 =	sld [smem:$0x3FB4];
	_ =	sdelay $0x3  }
0x33: {  	p0 =	seq.s32 s10, $0x1;
	s10 =	sld [smem:$0x3FB6];
	_ =	sdelay $0x3  }
0x34: {  	[smem:$0x3FB6] =	sst s10  }
0x35: {  	s10 =	sld [smem:$0x3FB5];
	_ =	sdelay $0x3  }
0x36: {  	p1 =	seq.s32 s10, $0x1;
	s10 =	sld [smem:$0x3FB6];
	_ =	sdelay $0x3  }
0x37: {  	[smem:$0x3FB6] =	sst s10  }
0x38: {  	s10 =	sld [smem:$0x3FB7]  }
0x39: {  	_ = 	snop;
	(pc) =	sbr.ind lr, $3  }
0x3a: {  	_ = 	snop  }
0x3b: {  	_ = 	snop  }
0x3c: {  	p2 =	seq.s32 s10, $0x1;
	s10 =	sld [smem:$0x3FB6]  }
0x3d: {  	_ =	shalt  }
0x3e: {  	_ =	shalt  }
0x3f: {  	_ =	shalt  }
0x40: {  	_ =	shalt  }
0x41: {  	_ =	shalt  }
0x42: {  	_ =	shalt  }
0x43: {  	_ =	shalt  }
0x44: {  	_ =	shalt  }
0x45: {  	_ =	shalt  }
0x46: {  	_ =	shalt  }
0x47: {  	_ =	shalt  }
0x48: {  	_ =	shalt  }
0x49: {  	_ =	shalt  }
0x4a: {  	_ =	shalt  }
0x4b: {  	_ =	shalt  }
0x4c: {  	_ =	shalt  }
0x4d: {  	_ =	shalt  }
0x4e: {  	_ =	shalt  }
0x4f: {  	_ =	shalt  }
0x50: {  	_ =	shalt  }
0x51: {  	_ =	shalt  }
0x52: {  	_ =	shalt  }
0x53: {  	_ =	shalt  }
0x54: {  	_ =	shalt  }
0x55: {  	_ =	shalt  }
0x56: {  	_ =	shalt  }
0x57: {  	_ =	shalt  }
0x58: {  	_ =	shalt  }
0x59: {  	_ =	shalt  }
0x5a: {  	_ =	shalt  }
0x5b: {  	_ =	shalt  }
0x5c: {  	_ =	shalt  }
0x5d: {  	_ =	shalt  }
0x5e: {  	_ =	shalt  }
0x5f: {  	_ =	shalt  }
0x60: {  	_ =	shalt  }
0x61: {  	_ =	shalt  }
0x62: {  	_ =	shalt  }
0x63: {  	_ =	shalt  }
0x64: {  	_ =	shalt  }
0x65: {  	_ =	shalt  }
0x66: {  	_ =	shalt  }
0x67: {  	_ =	shalt  }
0x68: {  	_ =	shalt  }
0x69: {  	_ =	shalt  }
0x6a: {  	_ =	shalt  }
0x6b: {  	_ =	shalt  }
0x6c: {  	_ =	shalt  }
0x6d: {  	_ =	shalt  }
0x6e: {  	_ =	shalt  }
0x6f: {  	_ =	shalt  }
0x70: {  	_ =	shalt  }
0x71: {  	_ =	shalt  }
0x72: {  	_ =	shalt  }
0x73: {  	_ =	shalt  }
0x74: {  	_ =	shalt  }
0x75: {  	_ =	shalt  }
0x76: {  	_ =	shalt  }
0x77: {  	_ =	shalt  }
0x78: {  	_ =	shalt  }
0x79: {  	_ =	shalt  }
0x7a: {  	_ =	shalt  }
0x7b: {  	_ =	shalt  }
0x7c: {  	_ =	shalt  }
0x7d: {  	_ =	shalt  }
0x7e: {  	_ =	shalt  }
0x7f: {  	_ =	shalt  }
0x80: {  	_ =	shalt  }
0x81: {  	_ =	shalt  }
0x82: {  	_ =	shalt  }
0x83: {  	_ =	shalt  }
0x84: {  	_ =	shalt  }
0x85: {  	_ =	shalt  }
0x86: {  	_ =	shalt  }
0x87: {  	_ =	shalt  }
.Lfunc_end0:
.L_simem_size_0:
called_computation.2_lowered:
.L_overlay_start_0:
0x88: {  	s2 =	sld [smem:$0x3FD9]  }
0x89: {  	s3 =	sld [smem:$0x3FFE];
	_ =	sdelay $0x1  }
0x8a: {  	s1 =	srdreg.scid  }
0x8b: {  	s0 =	sand.u32 $0x1, s1  }
0x8c: {  	s17 =	sshll.u32 s0, $0xA;
	s2 =	sadd.s32 s3, s2  }
0x8d: {  	s2 =	sadd.s32 s2, s17  }
0x8e: {  	[smem:$0x3FC2] =	sst s2  }
0x8f: {  	_ = 	snop  }
0x90: {  	s2 =	sld [smem:$0x3FD0];
	(tm) =	ssettm $0x1  }
0x91: {  	s18 =	sld [smem:$0x3FFB];
	_ =	sdelay $0x3  }
0x92: {  	_ =	strace s18  }
0x93: {  	s3 =	sld [smem:$0x3FFC];
	_ =	sdelay $0x3  }
0x94: {  	_ =	strace s3  }
0x95: {  	s3 =	sld [smem:$0x3FFD];
	_ =	sdelay $0x3  }
0x96: {  	_ =	strace s3  }
0x97: {  	_ =	strace $0x8FFFFFFF  }
0x98: {  	s19 =	sld [smem:$0x3FDB];
	_ =	sdelay $0x1  }
0x99: {  	s4 =	simm.s32 $_scs_section_size  }
0x9a: {  	s5 =	simm.s32 $_size__tile_overlayer_lowered;
	s6 =	simm.s32 $_tile_overlayer_lowered  }
0x9b: {  	s22 =	simm.s32 $0x1BFF;
	s21 =	sshll.u32 s6, $0x1;
	s3 =	sadd.s32 s4, s19  }
0x9c: {  	s7 =	simm.s32 $0x0;
	s20 =	sshll.u32 s5, $0x1;
	s5 =	sadd.s32 s21, s3  }
0x9d: {  	[timem:s7], [sflag:s22] =	dma.local [hbm:s5], s20  }
0x9e: {  	_ =	swait.ge [sflag:s22], s20  }
0x9f: {  	s4 =	ssub.s32 $0x0, s20;
	[sflag:s22] =	ssyncset.done $0x0  }
0xa0: {  	[sflag:s22] =	ssyncadd.s32 s4;
	_ =	sdelay $0x1  }
0xa1: {  	s23 =	simm.s32 $0x1B8B  }
0xa2: {  	_ =	swait.ge [sflag:s23], $0x1  }
0xa3: {  	[sflag:s23] =	ssyncset.done $0x0  }
0xa4: {  	s25 =	simm.s32 $0x1B8E;
	s24 =	sld [smem:$0x3FFE];
	[sflag:s23] =	ssyncadd.s32 $0xFFFFFFFF  }
0xa5: {  	s26 =	simm.s32 $execute0_lowered;
	[smem:$0x3FD2] =	sst s25  }
0xa6: {  	s5 =	sshll.u32 s26, $0x1;
	_ =	strace $0x8000004C;
	[dreg:$0x1] =	wrdreg $0xFFFFFFFF  }
0xa7: {  	s28 =	simm.s32 $_size_execute0_lowered;
	s3 =	sadd.s32 s3, s5;
	[dreg:$0x0] =	wrdreg $0x0  }
0xa8: {  	s5 =	sshll.u32 s28, $0x1;
	[dreg:$0x2] =	wrdreg s3  }
0xa9: {  	[dreg:$0x3] =	wrdreg s5  }
0xaa: {  	[dreg:$0x4] =	wrdreg $0xC0  }
0xab: {  	_ =	task [dreg:s7], $0x5FFFF  }
0xac: {  	[dreg:$0x1] =	wrdreg $0xFFFFFFFF  }
0xad: {  	[dreg:$0x0] =	wrdreg $0x60  }
0xae: {  	[dreg:$0x2] =	wrdreg s24  }
0xaf: {  	[dreg:$0x3] =	wrdreg s2  }
0xb0: {  	[dreg:$0x4] =	wrdreg $0xB8000  }
0xb1: {  	[dreg:$0x5] =	wrdreg $0x9  }
0xb2: {  	_ =	task.clear_ibuf [dreg:s7], $0x6FFFF;
	_ =	strace $0x9000004C  }
0xb3: {  	s29 =	simm.s32 $0x9;
	_ =	strace $0x8000004E  }
0xb4: {  	_ =	swait.ge [sflag:s29], $0x1  }
0xb5: {  	[sflag:s29] =	ssyncadd.s32 $0xFFFFFFFF  }
0xb6: {  	_ =	strace $0x9000004E  }
0xb7: {  	_ =	sfence  }
0xb8: {  	s30 =	sld [smem:$0x0];
	_ =	sdelay $0x2  }
0xb9: {  	s31 =	sshll.u32 s1, $0xD;
	s1 =	sshrl.u32 s1, $0x2  }
0xba: {  	s3 =	sand.u32 $0x4000, s31;
	s1 =	sadd.s32 s1, s30  }
0xbb: {  	s0 =	sor.u32 s3, s0;
	s1 =	sshll.u32 s1, $0x11  }
0xbc: {  	s0 =	sor.u32 s1, s0  }
0xbd: {  	s0 =	sadd.s32 $0x8F2B, s0  }
0xbe: {  	[sflag:s0] =	ssyncadd.remote.s32 $0x1  }
0xbf: {  	_ =	sfence.sel $0xFFFF  }
0xc0: {  	[dreg:$0x0] =	wrdreg $0xFFFFFFFF;
	(pc) =	sbr.abs _section_cstart, $3  }
0xc1: {  	[dreg:$0x1] =	wrdreg $0xFFFFFFFF  }
0xc2: {  	_ =	task.clear_ibuf [dreg:s7], $0x2FFFF;
	_ =	strace $0x9FFFFFFF  }
0xc3: {  	(tm) =	ssettm $0x7FFFFFFF  }
tec
execute0_lowered:
.L_overlay_start_1:
0x0: {  	(tag) =	ssettag $0x1  }
0x1: {  	s5 =	rddreg [dreg:$0x0]  }
0x2: {  	s10 =	rddreg [dreg:$0x1]  }
0x3: {  	s2 =	rddreg [dreg:$0x2];
	s3 =	simm.s32 $0x0;
	s1 =	stileid.u32  }
0x4: {  	s4 =	srdreg.scid;
	s16 =	simm.s32 $0x4000;
	s17 =	simm.s32 $0x80  }
0x5: {  	s18 =	simm.s32 $0x6800;
	s19 =	simm.s32 $0x0;
	[smem:$0x7FF] =	sst s3  }
0x6: {  	s6 =	smul.u32 $0x14000, s1;
	s7 =	sand.u32 $0x1, s4;
	s4 =	sadd.s32 $0x2A000, s5  }
0x7: {  	s9 =	sadd.s32 $0x7A000, s5;
	s12 =	smul.u32 $0x50000, s1;
	s28 =	sshll.u32 s1, $0xB  }
0x8: {  	s29 =	sshll.u32 s1, $0x6;
	_ =	strace $0x8000004D;
	s8 =	smul.u32 $0x140000, s7  }
0x9: {  	s24 =	ssub.s32 $0x2, s7;
	s26 =	sshll.u32 s7, $0xF;
	s11 =	sshrl.u32 s6, $0x3  }
0xa: {  	s13 =	sshrl.u32 s24, $0x1;
	s25 =	sshrl.u32 s12, $0x2;
	s30 =	sor.u32 s28, s26  }
0xb: {  	s6 =	sadd.s32 s6, s8;
	s11 =	sadd.s32 s11, s5;
	s13 =	ssub.s32 s24, s13  }
0xc: {  	s15 =	sadd.s32 s25, s2;
	s7 =	sadd.s32 s9, s30;
	s31 =	sor.u32 $0x400, s30  }
0xd: {  	s8 =	sadd.s32 s10, s30;
	s6 =	sshrl.u32 s6, $0x3;
	s9 =	sadd.s32 s9, s31  }
0xe: {  	s10 =	sadd.s32 s10, s31;
	s12 =	smax.u32 s13, $0x1;
	s13 =	sshrl.u32 s15, $0x3  }
0xf: {  	s15 =	simm.s32 $0x50;
	s14 =	sadd.s32 s6, s5;
	s5 =	sadd.s32 $0x2000, s11  }
0x10: {  	s6 =	sor.u32 $0x1C04, s29;
	s11 =	sadd.s32 $0x8A000, s14;
	s14 =	simm.s32 $0x4  }
.LBB2_1:
0x11: {  	[spmem:s13], [sflag:s6] =	dma.local [hbm:s5], $0x2800  }
0x12: {  	s20 =	simm.s32 $0x2000;
	p0 =	por $0x0, $0x0;
	s22 =	smul.u32 $0xAB, s3  }
0x13: {  	s23 =	simm.s32 $0x100;
	p1 =	por $0x0, $0x0;
	_ =	swait.ge [sflag:s14], $0x2800  }
0x14: {  	s21 =	simm.s32 @!p0 $0x2;
	s28 =	simm.s32 @!p1 $0x3;
	[sflag:s14] =	ssyncset.done $0x0  }
0x15: {  	s21 =	smul.u32 @!p0 $0xAB, s21;
	s22 =	sshrl.u32 s22, $0x9;
	[sflag:s14] =	ssyncadd.s32 $0xFFFFD800  }
0x16: {  	s30 =	smul.u32 @!p1 $0xAB, s28;
	s22 =	sand.u32 $0x7F, s22;
	[bflag:$0x0] =	sbarrier.arrive $0xFFFF  }
0x17: {  	[tilespmem:s3], [sflag:$0x4] =	stream.linear.gather [hbm4b:s7+s3], $0x2000, $0x38;
	[tilespmem:$0x1F800] =	vst v63  }
0x18: {  	s21 =	sshrl.u32 @!p0 s21, $0x9;
	p0 =	por p0, p0;
	_ =	swait.ge [sflag:s14], $0x2000  }
0x19: {  	s25 =	smul.u32 $0x3, s22;
	s21 =	sand.u32 @!p0 $0x7F, s21;
	[sflag:s14] =	ssyncset.done $0x0  }
0x1a: {  	s24 =	simm.s32 $0x2;
	s21 =	smul.u32 @!p0 $0x3, s21;
	[sflag:s14] =	ssyncadd.s32 $0xFFFFE000  }
0x1b: {  	[tilespmem:s20], [sflag:$0x4] =	stream.linear.gather [hbm4b:s8+s3], $0x2000, $0x38;
	[tilespmem:$0x1F800] =	vst v63  }
0x1c: {  	s22 =	simm.s32 $0x1;
	s21 =	ssub.s32 @!p0 $0x2, s21;
	_ =	swait.ge [sflag:s14], $0x2000  }
0x1d: {  	s25 =	ssub.s32 $0x0, s25;
	s21 =	sand.u32 @!p0 $0xFF, s21;
	[sflag:s14] =	ssyncset.done $0x0  }
0x1e: {  	s25 =	sand.u32 $0xFF, s25;
	s26 =	smul.u32 @!p0 $0xA000, s21;
	[sflag:s14] =	ssyncadd.s32 $0xFFFFE000  }
0x1f: {  	[tilespmem:s16], [sflag:$0x1] =	stream.indirect.gather [hbm4b:s4+s15], $0x80, s3, s15, $0xb8;
	[tilespmem:$0x1F800] =	vst v63  }
0x20: {  	s31 =	simm.s32 @!p0 $0x50;
	s29 =	smul.u32 $0xA000, s25;
	s26 =	sshrl.u32 @!p0 s26, $0x2  }
0x21: {  	[tilespmem:s18], [sflag:$0x2] =	stream.indirect.gather [hbm4b:s4+s15], $0x80, s17, s15, $0xb8;
	[tilespmem:$0x1F800] =	vst v63  }
0x22: {  	s25 =	sadd.s32 $0x1, s25;
	s21 =	sadd.s32 @!p0 $0x1, s21;
	s26 =	sadd.s32 @!p0 $0x4000, s26  }
0x23: {  	[tilespmem:s26], [sflag:s21] =	stream.indirect.gather @!p0 [hbm4b:s4+s31], $0x80, s23, s31, $0xb8;
	[tilespmem:$0x1F800] =	vst v63  }
0x24: {  	s26 =	sshrl.u32 s29, $0x2;
	s21 =	sshrl.u32 @!p1 s30, $0x9;
	p0 =	por p1, p1  }
0x25: {  	s29 =	smul.u32 $0xAB, s22;
	s30 =	sand.u32 @!p0 $0x7F, s21;
	s21 =	simm.s32 $0x2080  }
.LBB2_2:
0x26: {  	s30 =	smul.u32 @!p0 $0x3, s30  }
0x27: {  	s23 =	sadd.s32 $0x80, s23;
	s31 =	smov.u32 s24;
	s24 =	sadd.s32 $0x1, s24  }
0x28: {  	p1 =	sne.s32 s24, $0x40;
	s29 =	sshrl.u32 s29, $0x9  }
0x29: {  	s26 =	sadd.s32 $0x4000, s26;
	s29 =	sand.u32 $0x7F, s29;
	s28 =	ssub.s32 @!p0 s28, s30  }
0x2a: {  	s29 =	smul.u32 $0x3, s29;
	s28 =	sand.u32 @!p0 $0xFF, s28;
	_ =	swait.ge [sflag:s25], $0x2800  }
0x2b: {  	s30 =	smul.u32 @!p0 $0xA000, s28;
	s0 =	sadd.s32 @!p0 $0x1, s28;
	[sflag:s25] =	ssyncset.done $0x0  }
0x2c: {  	s28 =	ssub.s32 s22, s29;
	[sflag:s25] =	ssyncadd.s32 $0xFFFFD800;
	s22 =	smov.u32 s31  }
0x2d: {  	s25 =	sand.u32 $0xFF, s28;
	s28 =	sshrl.u32 @!p0 s30, $0x2;
	p2 =	sgt.u32 s22, $0x3D  }
0x2e: {  	[spmem:s2] =	stream.indirect.scatter.add.f32 [tilespmem:s26], [sflag:$0x4], $0x80, s20, s15, $0xb8;
	[tilespmem:$0x1F800] =	vst v63  }
0x2f: {  	s29 =	sadd.s32 @!p0 $0x4000, s28;
	s20 =	smul.u32 $0xA000, s25;
	_ =	swait.ge [sflag:s14], $0x2800  }
0x30: {  	s25 =	sadd.s32 $0x1, s25;
	s28 =	sadd.s32 @!p2 $0x2, s22;
	[sflag:s14] =	ssyncset.done $0x0  }
.Ltmp0:
0x31: {  	s26 =	sshrl.u32 s20, $0x2;
	[sflag:s14] =	ssyncadd.s32 $0xFFFFD800;
	(pc) =	sbr.rel @p1 .LBB2_2-.Ltmp0, $4  }
0x32: {  	s31 =	simm.s32 @!p0 $0x50;
	s30 =	smul.u32 @!p2 $0xAB, s28;
	s20 =	smov.u32 s21  }
0x33: {  	[tilespmem:s29], [sflag:s0] =	stream.indirect.gather @!p0 [hbm4b:s4+s31], $0x80, s23, s31, $0xb8;
	[tilespmem:$0x1F800] =	vst v63  }
0x34: {  	s0 =	sshrl.u32 @!p2 s30, $0x9;
	p0 =	por p2, p2  }
0x35: {  	s21 =	sadd.s32 $0x80, s21;
	s29 =	smul.u32 $0xAB, s22;
	s30 =	sand.u32 @!p0 $0x7F, s0  }
0x36: {  	s0 =	smul.u32 @!p0 $0x3, s30;
	_ =	swait.ge [sflag:s25], $0x2800  }
0x37: {  	s23 =	sadd.s32 $0x80, s23;
	s24 =	sshrl.u32 s29, $0x9;
	[sflag:s25] =	ssyncset.done $0x0  }
0x38: {  	s24 =	sand.u32 $0x7F, s24;
	s0 =	ssub.s32 @!p0 s28, s0;
	[sflag:s25] =	ssyncadd.s32 $0xFFFFD800  }
0x39: {  	s25 =	sadd.s32 $0x4000, s26;
	s24 =	smul.u32 $0x3, s24;
	s0 =	sand.u32 @!p0 $0xFF, s0  }
0x3a: {  	[spmem:s2] =	stream.indirect.scatter.add.f32 [tilespmem:s25], [sflag:$0x4], $0x80, s20, s15, $0xb8;
	[tilespmem:$0x1F800] =	vst v63  }
0x3b: {  	s25 =	simm.s32 @!p0 $0x50;
	s28 =	smul.u32 @!p0 $0xA000, s0;
	_ =	swait.ge [sflag:s14], $0x2800  }
0x3c: {  	s0 =	sadd.s32 @!p0 $0x1, s0;
	s22 =	ssub.s32 s22, s24;
	[sflag:s14] =	ssyncset.done $0x0  }
0x3d: {  	s26 =	sand.u32 $0xFF, s22;
	s22 =	sshrl.u32 @!p0 s28, $0x2;
	[sflag:s14] =	ssyncadd.s32 $0xFFFFD800  }
0x3e: {  	s22 =	sadd.s32 @!p0 $0x4000, s22;
	s31 =	smul.u32 $0xA000, s26;
	s20 =	sadd.s32 $0x1, s26  }
0x3f: {  	[tilespmem:s22], [sflag:s0] =	stream.indirect.gather @!p0 [hbm4b:s4+s25], $0x80, s23, s25, $0xb8;
	[tilespmem:$0x1F800] =	vst v63  }
0x40: {  	p1 =	por $0x0, $0x0;
	_ =	swait.ge [sflag:s20], $0x2800  }
0x41: {  	p0 =	por $0x0, $0x0;
	s26 =	sshrl.u32 s31, $0x2;
	[sflag:s20] =	ssyncset.done $0x0  }
0x42: {  	s31 =	simm.s32 $0x0;
	s0 =	sadd.s32 $0x4000, s26;
	[sflag:s20] =	ssyncadd.s32 $0xFFFFD800  }
0x43: {  	[spmem:s2] =	stream.indirect.scatter.add.f32 [tilespmem:s0], [sflag:$0x4], $0x80, s21, s15, $0xb8;
	[tilespmem:$0x1F800] =	vst v63  }
0x44: {  	s24 =	simm.s32 $0x2;
	s21 =	simm.s32 @!p0 $0x2;
	s0 =	smul.u32 $0xAB, s31  }
0x45: {  	s28 =	simm.s32 @!p1 $0x3;
	_ =	swait.ge [sflag:s14], $0x2800;
	s21 =	smul.u32 @!p0 $0xAB, s21  }
0x46: {  	s23 =	simm.s32 $0x100;
	s22 =	simm.s32 $0x1;
	[sflag:s14] =	ssyncset.done $0x0  }
0x47: {  	s0 =	sshrl.u32 s0, $0x9;
	[sflag:s14] =	ssyncadd.s32 $0xFFFFD800;
	s21 =	sshrl.u32 @!p0 s21, $0x9  }
0x48: {  	[tilespmem:s31], [sflag:$0x4] =	stream.linear.gather [hbm4b:s9+s31], $0x2000, $0x38;
	[tilespmem:$0x1F800] =	vst v63  }
0x49: {  	p0 =	por p0, p0;
	s0 =	sand.u32 $0x7F, s0;
	_ =	swait.ge [sflag:s14], $0x2000  }
0x4a: {  	s21 =	sand.u32 @!p0 $0x7F, s21;
	s0 =	smul.u32 $0x3, s0;
	[sflag:s14] =	ssyncset.done $0x0  }
0x4b: {  	s20 =	simm.s32 $0x2000;
	s21 =	smul.u32 @!p0 $0x3, s21;
	[sflag:s14] =	ssyncadd.s32 $0xFFFFE000  }
0x4c: {  	[tilespmem:s20], [sflag:$0x4] =	stream.linear.gather [hbm4b:s10+s31], $0x2000, $0x38;
	[tilespmem:$0x1F800] =	vst v63  }
0x4d: {  	s30 =	simm.s32 @!p0 $0x50;
	s21 =	ssub.s32 @!p0 $0x2, s21;
	_ =	swait.ge [sflag:s14], $0x2000  }
0x4e: {  	s0 =	ssub.s32 $0x0, s0;
	s21 =	sand.u32 @!p0 $0xFF, s21;
	[sflag:s14] =	ssyncset.done $0x0  }
0x4f: {  	s0 =	sand.u32 $0xFF, s0;
	s25 =	smul.u32 @!p0 $0xA000, s21;
	[sflag:s14] =	ssyncadd.s32 $0xFFFFE000  }
0x50: {  	[tilespmem:s16], [sflag:$0x1] =	stream.indirect.gather [hbm4b:s4+s15], $0x80, s31, s15, $0xb8;
	[tilespmem:$0x1F800] =	vst v63  }
0x51: {  	s29 =	smul.u32 $0xA000, s0;
	s21 =	sadd.s32 @!p0 $0x1, s21;
	s25 =	sshrl.u32 @!p0 s25, $0x2  }
0x52: {  	[tilespmem:s18], [sflag:$0x2] =	stream.indirect.gather [hbm4b:s4+s15], $0x80, s17, s15, $0xb8;
	[tilespmem:$0x1F800] =	vst v63  }
0x53: {  	s26 =	sadd.s32 @!p0 $0x4000, s25;
	s25 =	sadd.s32 $0x1, s0;
	s0 =	smul.u32 @!p1 $0xAB, s28  }
0x54: {  	[tilespmem:s26], [sflag:s21] =	stream.indirect.gather @!p0 [hbm4b:s4+s30], $0x80, s23, s30, $0xb8;
	[tilespmem:$0x1F800] =	vst v63  }
0x55: {  	s0 =	sshrl.u32 @!p1 s0, $0x9;
	s26 =	sshrl.u32 s29, $0x2;
	p0 =	por p1, p1  }
0x56: {  	s29 =	smul.u32 $0xAB, s22;
	s21 =	simm.s32 $0x2080;
	s30 =	sand.u32 @!p0 $0x7F, s0  }
.LBB2_4:
0x57: {  	s0 =	smul.u32 @!p0 $0x3, s30  }
0x58: {  	s23 =	sadd.s32 $0x80, s23;
	s30 =	smov.u32 s24;
	s24 =	sadd.s32 $0x1, s24  }
0x59: {  	p1 =	sne.s32 s24, $0x40;
	s29 =	sshrl.u32 s29, $0x9  }
0x5a: {  	s26 =	sadd.s32 $0x4000, s26;
	s29 =	sand.u32 $0x7F, s29;
	s0 =	ssub.s32 @!p0 s28, s0  }
0x5b: {  	s28 =	smul.u32 $0x3, s29;
	s0 =	sand.u32 @!p0 $0xFF, s0;
	_ =	swait.ge [sflag:s25], $0x2800  }
0x5c: {  	s29 =	smul.u32 @!p0 $0xA000, s0;
	s0 =	sadd.s32 @!p0 $0x1, s0;
	[sflag:s25] =	ssyncset.done $0x0  }
0x5d: {  	s28 =	ssub.s32 s22, s28;
	[sflag:s25] =	ssyncadd.s32 $0xFFFFD800;
	s22 =	smov.u32 s30  }
0x5e: {  	s25 =	sand.u32 $0xFF, s28;
	s28 =	sshrl.u32 @!p0 s29, $0x2;
	p2 =	sgt.u32 s22, $0x3D  }
0x5f: {  	[spmem:s2] =	stream.indirect.scatter.add.f32 [tilespmem:s26], [sflag:$0x4], $0x80, s20, s15, $0xb8;
	[tilespmem:$0x1F800] =	vst v63  }
0x60: {  	s29 =	sadd.s32 @!p0 $0x4000, s28;
	s20 =	smul.u32 $0xA000, s25;
	_ =	swait.ge [sflag:s14], $0x2800  }
0x61: {  	s25 =	sadd.s32 $0x1, s25;
	s28 =	sadd.s32 @!p2 $0x2, s22;
	[sflag:s14] =	ssyncset.done $0x0  }
.Ltmp1:
0x62: {  	s26 =	sshrl.u32 s20, $0x2;
	[sflag:s14] =	ssyncadd.s32 $0xFFFFD800;
	(pc) =	sbr.rel @p1 .LBB2_4-.Ltmp1, $4  }
0x63: {  	s31 =	simm.s32 @!p0 $0x50;
	s30 =	smul.u32 @!p2 $0xAB, s28;
	s20 =	smov.u32 s21  }
0x64: {  	[tilespmem:s29], [sflag:s0] =	stream.indirect.gather @!p0 [hbm4b:s4+s31], $0x80, s23, s31, $0xb8;
	[tilespmem:$0x1F800] =	vst v63  }
0x65: {  	s0 =	sshrl.u32 @!p2 s30, $0x9;
	p0 =	por p2, p2  }
0x66: {  	s21 =	sadd.s32 $0x80, s21;
	s29 =	smul.u32 $0xAB, s22;
	s30 =	sand.u32 @!p0 $0x7F, s0  }
0x67: {  	s0 =	smul.u32 @!p0 $0x3, s30;
	s23 =	sadd.s32 $0x80, s23  }
0x68: {  	_ =	swait.ge [sflag:s25], $0x2800;
	s26 =	sadd.s32 $0x4000, s26;
	s24 =	sshrl.u32 s29, $0x9  }
0x69: {  	[sflag:s25] =	ssyncset.done $0x0;
	s24 =	sand.u32 $0x7F, s24;
	s0 =	ssub.s32 @!p0 s28, s0  }
0x6a: {  	[sflag:s25] =	ssyncadd.s32 $0xFFFFD800;
	s24 =	smul.u32 $0x3, s24;
	s0 =	sand.u32 @!p0 $0xFF, s0  }
0x6b: {  	[spmem:s2] =	stream.indirect.scatter.add.f32 [tilespmem:s26], [sflag:$0x4], $0x80, s20, s15, $0xb8;
	[tilespmem:$0x1F800] =	vst v63  }
0x6c: {  	s25 =	simm.s32 @!p0 $0x50;
	s28 =	smul.u32 @!p0 $0xA000, s0;
	_ =	swait.ge [sflag:s14], $0x2800  }
0x6d: {  	s0 =	sadd.s32 @!p0 $0x1, s0;
	s22 =	ssub.s32 s22, s24;
	[sflag:s14] =	ssyncset.done $0x0  }
0x6e: {  	s29 =	sand.u32 $0xFF, s22;
	s22 =	sshrl.u32 @!p0 s28, $0x2;
	[sflag:s14] =	ssyncadd.s32 $0xFFFFD800  }
0x6f: {  	s22 =	sadd.s32 @!p0 $0x4000, s22;
	s30 =	smul.u32 $0xA000, s29;
	s20 =	sadd.s32 $0x1, s29  }
0x70: {  	[tilespmem:s22], [sflag:s0] =	stream.indirect.gather @!p0 [hbm4b:s4+s25], $0x80, s23, s25, $0xb8;
	[tilespmem:$0x1F800] =	vst v63  }
0x71: {  	_ =	swait.ge [sflag:s20], $0x2800  }
0x72: {  	s31 =	sshrl.u32 s30, $0x2;
	[sflag:s20] =	ssyncset.done $0x0  }
0x73: {  	s0 =	sadd.s32 $0x4000, s31;
	[sflag:s20] =	ssyncadd.s32 $0xFFFFD800  }
0x74: {  	[spmem:s2] =	stream.indirect.scatter.add.f32 [tilespmem:s0], [sflag:$0x4], $0x80, s21, s15, $0xb8;
	[tilespmem:$0x1F800] =	vst v63  }
0x75: {  	_ =	swait.ge [sflag:s14], $0x2800  }
0x76: {  	s19 =	sadd.s32 $0x1, s19;
	[sflag:s14] =	ssyncset.done $0x0  }
0x77: {  	p0 =	sne.s32 s19, s12;
	[sflag:s14] =	ssyncadd.s32 $0xFFFFD800  }
.Ltmp2:
0x78: {  	[bflag:$0x0] =	sbarrier.arrive $0xFFFF;
	(pc) =	sbr.rel @p0 .LBB2_1-.Ltmp2, $4  }
0x79: {  	[hbm:s11], [sflag:s6] =	dma.local [spmem:s13], $0x2800  }
0x7a: {  	_ =	swait.ge [sflag:s14], $0x2800  }
0x7b: {  	[sflag:s14] =	ssyncset.done $0x0  }
0x7c: {  	[sflag:s14] =	ssyncadd.s32 $0xFFFFD800  }
0x7d: {  	_ =	sfence.sel $0x180000  }
0x7e: {  	[bflag:$0x0] =	sbarrier.arrive $0xFFFF  }
0x7f: {  	_ =	strace $0x9000004D  }
0x80: {  	[bflag:$0x2] =	sbarrier.arrive $0xFFFF  }
0x81: {  	p0 =	sne.s32 s1, $0x0;
	s0 =	rddreg [dreg:$0x3]  }
0x82: {  	s0 =	sadd.s32 @!p0 $0x100000, s0  }
0x83: {  	[sflag:s0] =	ssyncadd.tile.s32 @!p0 $0x1;
	_ =	shalt  }
.Lfunc_end2:
_tile_overlayer_lowered:
.L_overlay_start_2:
0x84: {  	(tag) =	ssettag $0x2  }
0x85: {  	s0 =	rddreg [dreg:$0x0];
	s2 =	stileid.u32  }
0x86: {  	s1 =	rddreg [dreg:$0x1];
	p0 =	sne.s32 s2, $0x0  }
0x87: {  	s3 =	rddreg [dreg:$0x2];
	[bflag:$0x3] =	sbarrier.arrive $0xFFFF;
	s2 =	simm.s32 @!p0 $0x1C04  }
0x88: {  	[timem:s3], [sflag:s2] =	dma.local @!p0 [hbm:s0], s1  }
0x89: {  	s0 =	simm.s32 @!p0 $0x4  }
0x8a: {  	_ =	swait.ge @!p0 [sflag:s0], s1  }
0x8b: {  	s1 =	ssub.s32 @!p0 $0x0, s1;
	[sflag:s0] =	ssyncset.done @!p0 $0x0  }
0x8c: {  	[sflag:s0] =	ssyncadd.s32 @!p0 s1  }
0x8d: {  	[bflag:$0x3] =	sbarrier.arrive $0xFFFF  }
0x8e: {  	_ =	shalt  }

// kernel: kernel.8.cloned.1.call-start
scs
__scs_entry_jumppad:
0x0: {  	(pc) =	sbr.rel $0x88, $3  }
0x1: {  	(tag) =	ssettag $0x0;
	lr =	simm.s32 $0x1  }
0x2: {  	[smem:$0x3F9B] =	sst lr;
	_ =	strace $0xD0000000  }
0x3: {  	_ = 	snop  }
0x4: {  	_ = 	snop  }
0x5: {  	_ = 	snop  }
0x6: {  	_ = 	snop  }
0x7: {  	_ = 	snop  }
__scs_overlays_trampoline_lowered:
0x8: {  	[smem:$0x3FAA] =	sst s0  }
0x9: {  	[smem:$0x3FAB] =	sst s1  }
0xa: {  	[smem:$0x3FAC] =	sst s2  }
0xb: {  	[smem:$0x3FAD] =	sst s3  }
0xc: {  	[smem:$0x3FAE] =	sst s4  }
0xd: {  	[smem:$0x3FAF] =	sst s5  }
0xe: {  	[smem:$0x3FB0] =	sst s6  }
0xf: {  	[smem:$0x3FB1] =	sst s7  }
0x10: {  	[smem:$0x3FB2] =	sst s8  }
0x11: {  	[smem:$0x3FB3] =	sst s9;
	s0 =	simm.s32 @!p0 $0x0  }
0x12: {  	s1 =	sld [smem:$0x3F99];
	s0 =	simm.s32 @p0 $0x1  }
0x13: {  	[smem:$0x3FB4] =	sst s0;
	s0 =	simm.s32 @!p1 $0x0  }
0x14: {  	s2 =	sld [smem:$0x3F98];
	s0 =	simm.s32 @p1 $0x1  }
0x15: {  	[smem:$0x3FB5] =	sst s0;
	s0 =	simm.s32 @!p2 $0x0  }
0x16: {  	s3 =	sld [smem:$0x3FDB];
	s0 =	simm.s32 @p2 $0x1  }
0x17: {  	s4 =	simm.s32 $0x1BF5;
	[smem:$0x3FB7] =	sst s0  }
0x18: {  	s0 =	sld [smem:$0x3F9A];
	_ =	swait.ge [sflag:s4], $0x0  }
0x19: {  	s7 =	sld [smem:$0x3F9B]  }
0x1a: {  	s8 =	sadd.s32 $0xFFFFE003, lr  }
0x1b: {  	s9 =	sadd.s32 $0xFFFFFEF7, lr;
	s5 =	simm.s32 $0xFFFFFFFF;
	p2 =	slt.u32 s8, $0xFFFFF086  }
0x1c: {  	p1 =	slt.u32 s9, $0xF7A;
	s5 =	simm.s32 @!p2 $0x0  }
0x1d: {  	s5 =	simm.s32 @p1 $0x1;
	p0 =	seq.s32 s7, s2  }
0x1e: {  	s7 =	smul.u32 @!p0 $0xF7A, s2;
	p2 =	seq.s32 @!p0 s5, $0x0  }
0x1f: {  	s9 =	smul.u32 $0xF7A, s1;
	s8 =	simm.s32 @!p0 $0x1BF5;
	p2 =	por !p2, p0  }
0x20: {  	[sflag:s8] =	ssyncset.s32 @!p0 $0xFFFFF086;
	s6 =	sadd.s32 @!p0 s3, s7;
	s7 =	simm.s32 @!p0 $0x108  }
0x21: {  	s3 =	sadd.s32 s3, s9;
	s6 =	sadd.s32 @!p0 $0x88, s6;
	s7 =	simm.s32 @p2 $0x1082  }
0x22: {  	[simem:s7], [sflag:s8] =	dma.local @!p0 [hbm:s6], $0xF7A  }
0x23: {  	s9 =	sor.u32 $0xD0000000, s2;
	s6 =	simm.s32 $0x108;
	_ =	swait.ge @!p0 [sflag:s8], $0x0  }
0x24: {  	s3 =	sadd.s32 $0x88, s3;
	s6 =	simm.s32 @!p1 $0x1082;
	[sflag:s4] =	ssyncset.s32 $0xFFFFF086  }
0x25: {  	[simem:s6], [sflag:s4] =	dma.local [hbm:s3], $0xF7A  }
0x26: {  	[smem:$0x3F9B] =	sst s1;
	(tag) =	ssettag s2;
	_ =	strace s9  }
0x27: {  	s1 =	sld [smem:$0x3FAB]  }
0x28: {  	s2 =	sld [smem:$0x3FAC]  }
0x29: {  	s4 =	sld [smem:$0x3FAE]  }
0x2a: {  	p0 =	seq.s32 s5, $0x0;
	s5 =	sld [smem:$0x3FAF]  }
0x2b: {  	s6 =	sld [smem:$0x3FB0]  }
0x2c: {  	s7 =	sld [smem:$0x3FB1]  }
0x2d: {  	s3 =	simm.s32 $0x108;
	s8 =	sld [smem:$0x3FB2]  }
0x2e: {  	s3 =	simm.s32 @!p0 $0x1082;
	s9 =	sld [smem:$0x3FB3]  }
0x2f: {  	lr =	sadd.s32 s0, s3;
	s0 =	sld [smem:$0x3FAA]  }
0x30: {  	s3 =	sld [smem:$0x3FAD]  }
0x31: {  	[smem:$0x3FB6] =	sst s10  }
0x32: {  	s10 =	sld [smem:$0x3FB4];
	_ =	sdelay $0x3  }
0x33: {  	p0 =	seq.s32 s10, $0x1;
	s10 =	sld [smem:$0x3FB6];
	_ =	sdelay $0x3  }
0x34: {  	[smem:$0x3FB6] =	sst s10  }
0x35: {  	s10 =	sld [smem:$0x3FB5];
	_ =	sdelay $0x3  }
0x36: {  	p1 =	seq.s32 s10, $0x1;
	s10 =	sld [smem:$0x3FB6];
	_ =	sdelay $0x3  }
0x37: {  	[smem:$0x3FB6] =	sst s10  }
0x38: {  	s10 =	sld [smem:$0x3FB7]  }
0x39: {  	_ = 	snop;
	(pc) =	sbr.ind lr, $3  }
0x3a: {  	_ = 	snop  }
0x3b: {  	_ = 	snop  }
0x3c: {  	p2 =	seq.s32 s10, $0x1;
	s10 =	sld [smem:$0x3FB6]  }
0x3d: {  	_ =	shalt  }
0x3e: {  	_ =	shalt  }
0x3f: {  	_ =	shalt  }
0x40: {  	_ =	shalt  }
0x41: {  	_ =	shalt  }
0x42: {  	_ =	shalt  }
0x43: {  	_ =	shalt  }
0x44: {  	_ =	shalt  }
0x45: {  	_ =	shalt  }
0x46: {  	_ =	shalt  }
0x47: {  	_ =	shalt  }
0x48: {  	_ =	shalt  }
0x49: {  	_ =	shalt  }
0x4a: {  	_ =	shalt  }
0x4b: {  	_ =	shalt  }
0x4c: {  	_ =	shalt  }
0x4d: {  	_ =	shalt  }
0x4e: {  	_ =	shalt  }
0x4f: {  	_ =	shalt  }
0x50: {  	_ =	shalt  }
0x51: {  	_ =	shalt  }
0x52: {  	_ =	shalt  }
0x53: {  	_ =	shalt  }
0x54: {  	_ =	shalt  }
0x55: {  	_ =	shalt  }
0x56: {  	_ =	shalt  }
0x57: {  	_ =	shalt  }
0x58: {  	_ =	shalt  }
0x59: {  	_ =	shalt  }
0x5a: {  	_ =	shalt  }
0x5b: {  	_ =	shalt  }
0x5c: {  	_ =	shalt  }
0x5d: {  	_ =	shalt  }
0x5e: {  	_ =	shalt  }
0x5f: {  	_ =	shalt  }
0x60: {  	_ =	shalt  }
0x61: {  	_ =	shalt  }
0x62: {  	_ =	shalt  }
0x63: {  	_ =	shalt  }
0x64: {  	_ =	shalt  }
0x65: {  	_ =	shalt  }
0x66: {  	_ =	shalt  }
0x67: {  	_ =	shalt  }
0x68: {  	_ =	shalt  }
0x69: {  	_ =	shalt  }
0x6a: {  	_ =	shalt  }
0x6b: {  	_ =	shalt  }
0x6c: {  	_ =	shalt  }
0x6d: {  	_ =	shalt  }
0x6e: {  	_ =	shalt  }
0x6f: {  	_ =	shalt  }
0x70: {  	_ =	shalt  }
0x71: {  	_ =	shalt  }
0x72: {  	_ =	shalt  }
0x73: {  	_ =	shalt  }
0x74: {  	_ =	shalt  }
0x75: {  	_ =	shalt  }
0x76: {  	_ =	shalt  }
0x77: {  	_ =	shalt  }
0x78: {  	_ =	shalt  }
0x79: {  	_ =	shalt  }
0x7a: {  	_ =	shalt  }
0x7b: {  	_ =	shalt  }
0x7c: {  	_ =	shalt  }
0x7d: {  	_ =	shalt  }
0x7e: {  	_ =	shalt  }
0x7f: {  	_ =	shalt  }
0x80: {  	_ =	shalt  }
0x81: {  	_ =	shalt  }
0x82: {  	_ =	shalt  }
0x83: {  	_ =	shalt  }
0x84: {  	_ =	shalt  }
0x85: {  	_ =	shalt  }
0x86: {  	_ =	shalt  }
0x87: {  	_ =	shalt  }
.Lfunc_end0:
.L_simem_size_0:
called_computation_lowered:
.L_overlay_start_0:
0x88: {  	s2 =	sld [smem:$0x3FD9]  }
0x89: {  	s3 =	sld [smem:$0x3FFE];
	_ =	sdelay $0x1  }
0x8a: {  	s1 =	srdreg.scid  }
0x8b: {  	s0 =	sand.u32 $0x1, s1  }
0x8c: {  	s17 =	sshll.u32 s0, $0xA;
	s2 =	sadd.s32 s3, s2  }
0x8d: {  	s2 =	sadd.s32 s2, s17  }
0x8e: {  	[smem:$0x3FC2] =	sst s2  }
0x8f: {  	_ = 	snop  }
0x90: {  	s2 =	sld [smem:$0x3FD0];
	(tm) =	ssettm $0x1  }
0x91: {  	s18 =	sld [smem:$0x3FFB];
	_ =	sdelay $0x3  }
0x92: {  	_ =	strace s18  }
0x93: {  	s3 =	sld [smem:$0x3FFC];
	_ =	sdelay $0x3  }
0x94: {  	_ =	strace s3  }
0x95: {  	s3 =	sld [smem:$0x3FFD];
	_ =	sdelay $0x3  }
0x96: {  	_ =	strace s3  }
0x97: {  	_ =	strace $0x8FFFFFFF  }
0x98: {  	s19 =	sld [smem:$0x3FDB];
	_ =	sdelay $0x1  }
0x99: {  	s4 =	simm.s32 $_scs_section_size  }
0x9a: {  	s5 =	simm.s32 $_size__tile_overlayer_lowered;
	s6 =	simm.s32 $_tile_overlayer_lowered  }
0x9b: {  	s22 =	simm.s32 $0x1BFF;
	s21 =	sshll.u32 s6, $0x1;
	s3 =	sadd.s32 s4, s19  }
0x9c: {  	s7 =	simm.s32 $0x0;
	s20 =	sshll.u32 s5, $0x1;
	s5 =	sadd.s32 s21, s3  }
0x9d: {  	[timem:s7], [sflag:s22] =	dma.local [hbm:s5], s20  }
0x9e: {  	_ =	swait.ge [sflag:s22], s20  }
0x9f: {  	s4 =	ssub.s32 $0x0, s20;
	[sflag:s22] =	ssyncset.done $0x0  }
0xa0: {  	[sflag:s22] =	ssyncadd.s32 s4;
	_ =	sdelay $0x1  }
0xa1: {  	s23 =	simm.s32 $0x1B8B  }
0xa2: {  	_ =	swait.ge [sflag:s23], $0x1  }
0xa3: {  	[sflag:s23] =	ssyncset.done $0x0  }
0xa4: {  	s25 =	simm.s32 $0x1B8E;
	s24 =	sld [smem:$0x3FFE];
	[sflag:s23] =	ssyncadd.s32 $0xFFFFFFFF  }
0xa5: {  	s26 =	simm.s32 $execute0_lowered;
	[smem:$0x3FD2] =	sst s25  }
0xa6: {  	s5 =	sshll.u32 s26, $0x1;
	_ =	strace $0x80000046;
	[dreg:$0x1] =	wrdreg $0xFFFFFFFF  }
0xa7: {  	s28 =	simm.s32 $_size_execute0_lowered;
	s3 =	sadd.s32 s3, s5;
	[dreg:$0x0] =	wrdreg $0x0  }
0xa8: {  	s5 =	sshll.u32 s28, $0x1;
	[dreg:$0x2] =	wrdreg s3  }
0xa9: {  	[dreg:$0x3] =	wrdreg s5  }
0xaa: {  	[dreg:$0x4] =	wrdreg $0xC0  }
0xab: {  	_ =	task [dreg:s7], $0x5FFFF  }
0xac: {  	[dreg:$0x1] =	wrdreg $0xFFFFFFFF  }
0xad: {  	[dreg:$0x0] =	wrdreg $0x60  }
0xae: {  	[dreg:$0x2] =	wrdreg s2  }
0xaf: {  	[dreg:$0x3] =	wrdreg s24  }
0xb0: {  	[dreg:$0x4] =	wrdreg $0x68000  }
0xb1: {  	[dreg:$0x5] =	wrdreg $0x9  }
0xb2: {  	_ =	task.clear_ibuf [dreg:s7], $0x6FFFF;
	_ =	strace $0x90000046  }
0xb3: {  	s29 =	simm.s32 $0x9;
	_ =	strace $0x80000048  }
0xb4: {  	_ =	swait.ge [sflag:s29], $0x1  }
0xb5: {  	[sflag:s29] =	ssyncadd.s32 $0xFFFFFFFF  }
0xb6: {  	_ =	strace $0x90000048  }
0xb7: {  	_ =	sfence  }
0xb8: {  	s30 =	sld [smem:$0x0];
	_ =	sdelay $0x2  }
0xb9: {  	s31 =	sshll.u32 s1, $0xD;
	s1 =	sshrl.u32 s1, $0x2  }
0xba: {  	s3 =	sand.u32 $0x4000, s31;
	s1 =	sadd.s32 s1, s30  }
0xbb: {  	s0 =	sor.u32 s3, s0;
	s1 =	sshll.u32 s1, $0x11  }
0xbc: {  	s0 =	sor.u32 s1, s0  }
0xbd: {  	s0 =	sadd.s32 $0x8F2B, s0  }
0xbe: {  	[sflag:s0] =	ssyncadd.remote.s32 $0x1  }
0xbf: {  	_ =	sfence.sel $0xFFFF  }
0xc0: {  	[dreg:$0x0] =	wrdreg $0xFFFFFFFF;
	(pc) =	sbr.abs _section_cstart, $3  }
0xc1: {  	[dreg:$0x1] =	wrdreg $0xFFFFFFFF  }
0xc2: {  	_ =	task.clear_ibuf [dreg:s7], $0x2FFFF;
	_ =	strace $0x9FFFFFFF  }
0xc3: {  	(tm) =	ssettm $0x7FFFFFFF  }
tec
execute0_lowered:
.L_overlay_start_1:
0x0: {  	(tag) =	ssettag $0x1  }
0x1: {  	s5 =	rddreg [dreg:$0x0]  }
0x2: {  	s4 =	rddreg [dreg:$0x1]  }
0x3: {  	s2 =	rddreg [dreg:$0x2]  }
0x4: {  	s0 =	rddreg [dreg:$0x3]  }
0x5: {  	s1 =	stileid.u32;
	s6 =	srdreg.scid;
	s3 =	simm.s32 $0x0  }
0x6: {  	s12 =	simm.s32 $0x4000;
	s13 =	simm.s32 $0x1;
	s7 =	smul.u32 $0x14000, s1  }
0x7: {  	s6 =	sand.u32 $0x1, s6;
	[smem:$0x7FF] =	sst s3;
	s10 =	smul.u32 $0x50000, s1  }
0x8: {  	s30 =	sshll.u32 s1, $0xB;
	s31 =	sshll.u32 s1, $0x6;
	s8 =	smul.u32 $0x140000, s6  }
0x9: {  	_ =	strace $0x80000047;
	s28 =	ssub.s32 $0x2, s6;
	s6 =	sshll.u32 s6, $0xF  }
0xa: {  	s9 =	sshrl.u32 s7, $0x3;
	s11 =	sshrl.u32 s28, $0x1;
	s29 =	sshrl.u32 s10, $0x2  }
0xb: {  	s7 =	sadd.s32 s7, s8;
	s9 =	sadd.s32 s9, s4;
	s8 =	ssub.s32 s28, s11  }
0xc: {  	s10 =	sadd.s32 s29, s2;
	s11 =	simm.s32 $0x50;
	s7 =	sshrl.u32 s7, $0x3  }
0xd: {  	s7 =	sadd.s32 s7, s4;
	s4 =	sadd.s32 $0x2000, s9;
	s9 =	sadd.s32 s5, s30  }
0xe: {  	s8 =	smax.u32 s8, $0x1;
	s5 =	sor.u32 $0x1C02, s31;
	s6 =	sadd.s32 s6, s9  }
0xf: {  	v0 =	vimm.f32 $1.000000000e+00;
	s7 =	sadd.s32 $0x2A000, s7;
	s9 =	sshrl.u32 s10, $0x3;
	s10 =	simm.s32 $0x2  }
.LBB2_1:
0x10: {  	s14 =	simm.s32 $0x0;
	s15 =	simm.s32 $0x200  }
.LBB2_2:
0x11: {  	p0 =	sne.s32 s15, $0x9E00;
	[tilespmem:s14+$0x4070] =	vst v0  }
0x12: {  	[tilespmem:s14+$0x4000] =	vst v0  }
0x13: {  	[tilespmem:s14+$0x4010] =	vst v0  }
.Ltmp0:
0x14: {  	[tilespmem:s14+$0x4020] =	vst v0;
	(pc) =	sbr.rel @p0 .LBB2_2-.Ltmp0, $4  }
0x15: {  	[tilespmem:s14+$0x4030] =	vst v0  }
0x16: {  	[tilespmem:s14+$0x4040] =	vst v0  }
0x17: {  	[tilespmem:s14+$0x4050] =	vst v0  }
0x18: {  	[tilespmem:s14+$0x4060] =	vst v0;
	s14 =	sshra.s32 s15, $0x2;
	s15 =	sadd.s32 $0x200, s15  }
0x19: {  	[tilespmem:s14+$0x4070] =	vst v0  }
0x1a: {  	[tilespmem:s14+$0x4000] =	vst v0  }
0x1b: {  	[tilespmem:s14+$0x4010] =	vst v0  }
0x1c: {  	[tilespmem:s14+$0x4020] =	vst v0  }
0x1d: {  	[tilespmem:s14+$0x4030] =	vst v0  }
0x1e: {  	[tilespmem:s14+$0x4040] =	vst v0  }
0x1f: {  	[tilespmem:s14+$0x4050] =	vst v0  }
0x20: {  	[tilespmem:s14+$0x4060] =	vst v0  }
0x21: {  	[spmem:s9], [sflag:s5] =	dma.local [hbm:s4], $0x2800  }
0x22: {  	_ =	swait.ge [sflag:s10], $0x2800  }
0x23: {  	[sflag:s10] =	ssyncset.done $0x0  }
0x24: {  	s14 =	simm.s32 $0x0;
	[sflag:s10] =	ssyncadd.s32 $0xFFFFD800  }
0x25: {  	[tilespmem:s14], [sflag:$0x2] =	stream.linear.gather [hbm4b:s6+s14], $0x4000, $0x38;
	[tilespmem:$0x1A800] =	vst v63  }
0x26: {  	_ =	swait.ge [sflag:s10], $0x4000  }
0x27: {  	[sflag:s10] =	ssyncset.done $0x0  }
0x28: {  	[sflag:s10] =	ssyncadd.s32 $0xFFFFC000  }
0x29: {  	[bflag:$0x0] =	sbarrier.arrive $0xFFFF  }
.LBB2_4:
0x2a: {  	p0 =	sne.s32 s14, $0xFE00  }
.Ltmp1:
0x2b: {  	_ = 	snop;
	(pc) =	sbr.rel @p0 .LBB2_4-.Ltmp1, $3  }
0x2c: {  	_ =	sdelay $0x1  }
0x2d: {  	s15 =	sshra.s32 s14, $0x2;
	s14 =	sadd.s32 $0x200, s14  }
0x2e: {  	[spmem:s2] =	stream.indirect.scatter.add.f32 [tilespmem:s12], [sflag:$0x1], $0x80, s15, s11, $0xb8;
	[tilespmem:$0x1A800] =	vst v63  }
0x2f: {  	_ =	swait.ge [sflag:s13], $0x2800  }
0x30: {  	s14 =	simm.s32 $0x7F;
	[sflag:s13] =	ssyncset.done $0x0  }
.LBB2_6:
0x31: {  	p0 =	sne.s32 s14, $0x1;
	s14 =	sadd.s32 $0xFFFFFFFF, s14;
	[sflag:s13] =	ssyncadd.s32 $0xFFFFD800  }
.Ltmp2:
0x32: {  	(pc) =	sbr.rel @p0 .LBB2_6-.Ltmp2, $3  }
0x33: {  	_ =	sdelay $0x1  }
0x34: {  	_ =	swait.ge [sflag:s13], $0x2800  }
0x35: {  	[sflag:s13] =	ssyncset.done $0x0  }
0x36: {  	s3 =	sadd.s32 $0x1, s3  }
0x37: {  	[sflag:s13] =	ssyncadd.s32 $0xFFFFD800;
	p0 =	sne.s32 s3, s8  }
.Ltmp3:
0x38: {  	[bflag:$0x0] =	sbarrier.arrive $0xFFFF;
	(pc) =	sbr.rel @p0 .LBB2_1-.Ltmp3, $4  }
0x39: {  	[hbm:s7], [sflag:s5] =	dma.local [spmem:s9], $0x2800  }
0x3a: {  	_ =	swait.ge [sflag:s10], $0x2800  }
0x3b: {  	[sflag:s10] =	ssyncset.done $0x0  }
0x3c: {  	[sflag:s10] =	ssyncadd.s32 $0xFFFFD800  }
0x3d: {  	_ =	sfence.sel $0x180000  }
0x3e: {  	[bflag:$0x0] =	sbarrier.arrive $0xFFFF  }
0x3f: {  	p0 =	sne.s32 s1, $0x0;
	_ =	strace $0x90000047  }
0x40: {  	s0 =	sadd.s32 @!p0 $0x100000, s0;
	[bflag:$0x2] =	sbarrier.arrive $0xFFFF  }
0x41: {  	[sflag:s0] =	ssyncadd.tile.s32 @!p0 $0x1;
	_ =	shalt  }
.Lfunc_end2:
_tile_overlayer_lowered:
.L_overlay_start_2:
0x42: {  	(tag) =	ssettag $0x2  }
0x43: {  	s0 =	rddreg [dreg:$0x0];
	s2 =	stileid.u32  }
0x44: {  	s1 =	rddreg [dreg:$0x1];
	p0 =	sne.s32 s2, $0x0  }
0x45: {  	s3 =	rddreg [dreg:$0x2];
	[bflag:$0x3] =	sbarrier.arrive $0xFFFF;
	s2 =	simm.s32 @!p0 $0x1C02  }
0x46: {  	[timem:s3], [sflag:s2] =	dma.local @!p0 [hbm:s0], s1  }
0x47: {  	s0 =	simm.s32 @!p0 $0x2  }
0x48: {  	_ =	swait.ge @!p0 [sflag:s0], s1  }
0x49: {  	s1 =	ssub.s32 @!p0 $0x0, s1;
	[sflag:s0] =	ssyncset.done @!p0 $0x0  }
0x4a: {  	[sflag:s0] =	ssyncadd.s32 @!p0 s1  }
0x4b: {  	[bflag:$0x3] =	sbarrier.arrive $0xFFFF  }
0x4c: {  	_ =	shalt  }

</sc_bundles>
